<compile_context>
chip_gen: v7x
topology: tpu7x:2x2x1
jax: 0.10.2.dev20260603
libtpu: 0.0.44.dev20260713+nightly
codegen_flags: <defaults>
</compile_context>

<pallas_src>
import dataclasses
import functools

import jax
import jax.numpy as jnp
from jax import lax
from jax.experimental import pallas as pl
from jax.experimental.pallas import tpu as pltpu
from jax.experimental.pallas import tpu_sc as plsc

N = 10000
E = 320000
IN_DIM = 128
HID = 32
OUT_DIM = 128
H = 4
EDGE_DIM = 16
NEG = 0.2

NC = 2
NS = 16
NT = NC * NS
EPT = E // NT
K = 80
NPT = N // NS

EB = 8000


def _leaky(v):
    return jnp.maximum(v, NEG * v)


def _prep_nodes_body(x_ref, wcat_ref, aw_ref, xw_ref, atab_ref, m_ref):
    xw = jnp.dot(x_ref[...], wcat_ref[...], preferred_element_type=jnp.float32)
    xw_ref[...] = xw
    a = jnp.dot(xw, aw_ref[...], preferred_element_type=jnp.float32)
    atab_ref[...] = a
    amax = jnp.max(a, axis=0)
    m_ref[...] = jnp.broadcast_to(amax[:, None], (2 * H, 16))


def _prep_nodes(x, w_cat, aw):
    return pl.pallas_call(
        _prep_nodes_body,
        out_shape=[
            jax.ShapeDtypeStruct((N, H * HID), jnp.float32),
            jax.ShapeDtypeStruct((N, 2 * H), jnp.float32),
            jax.ShapeDtypeStruct((2 * H, 16), jnp.float32),
        ],
    )(x, w_cat, aw)


def _prep_edges_body(ea_ref, wb_ref, b_ref, mb_ref):
    i = pl.program_id(0)
    blk = jnp.dot(ea_ref[...], wb_ref[...], preferred_element_type=jnp.float32)
    b_ref[...] = blk
    rep = jnp.broadcast_to(jnp.max(blk, axis=0)[:, None], (H, 16))

    @pl.when(i == 0)
    def _():
        mb_ref[...] = rep

    @pl.when(i > 0)
    def _():
        mb_ref[...] = jnp.maximum(mb_ref[...], rep)


def _prep_edges(ea, wb):
    return pl.pallas_call(
        _prep_edges_body,
        grid=(E // EB,),
        in_specs=[
            pl.BlockSpec((EB, EDGE_DIM), lambda i: (i, 0)),
            pl.BlockSpec((EDGE_DIM, H), lambda i: (0, 0)),
        ],
        out_specs=[
            pl.BlockSpec((EB, H), lambda i: (i, 0)),
            pl.BlockSpec((H, 16), lambda i: (0, 0)),
        ],
        out_shape=[
            jax.ShapeDtypeStruct((E, H), jnp.float32),
            jax.ShapeDtypeStruct((H, 16), jnp.float32),
        ],
    )(ea, wb)


ROW = 144


def _sc_compiler_params():
    cp = pltpu.CompilerParams()
    fields = pltpu.CompilerParams.__dataclass_fields__
    if "needs_layout_passes" in fields:
        cp = dataclasses.replace(cp, needs_layout_passes=False)
    if "use_tc_tiling_on_sc" in fields:
        cp = dataclasses.replace(cp, use_tc_tiling_on_sc=False)
    return cp


def _sc_gat(src, dst, xw, atab, b, mam, mb):
    mesh = plsc.VectorSubcoreMesh(core_axis_name="c", subcore_axis_name="s")

    @functools.partial(
        pl.kernel,
        out_type=jax.ShapeDtypeStruct((NC, N, ROW), jnp.float32),
        mesh=mesh,
        compiler_params=_sc_compiler_params(),
        scratch_types=[
            pltpu.VMEM((K,), jnp.int32),
            pltpu.VMEM((K,), jnp.int32),
            pltpu.VMEM((K, H), jnp.float32),
            pltpu.VMEM((K, 2 * H), jnp.float32),
            pltpu.VMEM((K, 2 * H), jnp.float32),
            pltpu.VMEM((K, H * HID), jnp.float32),
            pltpu.VMEM((K, ROW), jnp.float32),
            pltpu.VMEM((2 * H, 16), jnp.float32),
            pltpu.VMEM((H, 16), jnp.float32),
            pltpu.VMEM_SHARED((N, ROW), jnp.float32),
        ],
    )
    def body(src_hbm, dst_hbm, xw_hbm, a_hbm, b_hbm, mam_hbm, mb_hbm,
             oacc_hbm,
             src_v, dst_v, b_v, ai_v, aj_v, xw_v, msg_v, mam_v, mb_v, out_sp):
        c = lax.axis_index("c")
        sub = lax.axis_index("s")
        tid = c * NS + sub
        ebase = tid * EPT
        nbase = sub * NPT

        pltpu.sync_copy(mam_hbm, mam_v)
        pltpu.sync_copy(mb_hbm, mb_v)

        mh = []
        for h in range(H):
            mh.append(_leaky(mam_v[h, :] + mam_v[H + h, :] + mb_v[h, :]))

        zero16 = jnp.zeros((16,), jnp.float32)

        @pl.loop(0, K)
        def _(k):
            for j in range(ROW // 16):
                msg_v[k, pl.ds(j * 16, 16)] = zero16

        for i in range(NPT // K):
            pltpu.sync_copy(msg_v, out_sp.at[pl.ds(nbase + i * K, K)])
        rem = NPT - (NPT // K) * K
        pltpu.sync_copy(msg_v.at[pl.ds(0, rem)],
                        out_sp.at[pl.ds(nbase + NPT - rem, rem)])
        plsc.subcore_barrier()

        iota16 = lax.iota(jnp.int32, 16)

        @pl.loop(0, EPT // K)
        def _(ci):
            off = ebase + ci * K
            pltpu.sync_copy(src_hbm.at[pl.ds(off, K)], src_v)
            pltpu.sync_copy(dst_hbm.at[pl.ds(off, K)], dst_v)
            pltpu.sync_copy(b_hbm.at[pl.ds(off, K)], b_v)
            pltpu.sync_copy(xw_hbm.at[src_v], xw_v)
            pltpu.sync_copy(a_hbm.at[dst_v], ai_v)
            pltpu.sync_copy(a_hbm.at[src_v], aj_v)

            for g in range(K // 16):
                ridx = iota16 + (g * 16)
                for h in range(H):
                    hfull = jnp.full((16,), h, jnp.int32)
                    ai = plsc.load_gather(ai_v, [ridx, hfull])
                    aj = plsc.load_gather(aj_v, [ridx, jnp.full((16,), H + h, jnp.int32)])
                    bh = plsc.load_gather(b_v, [ridx, hfull])
                    exh = jnp.exp(_leaky(ai + aj + bh) - mh[h])
                    plsc.store_scatter(msg_v, [ridx, hfull + (H * HID)], exh)

            @pl.loop(0, K)
            def _(k):
                ex16 = msg_v[k, pl.ds(H * HID, 16)]
                for h in range(H):
                    exs = ex16[h]
                    for q in range(2):
                        col = h * HID + q * 16
                        msg_v[k, pl.ds(col, 16)] = xw_v[k, pl.ds(col, 16)] * exs

            pltpu.sync_copy(msg_v, out_sp.at[dst_v], add=True)

        plsc.subcore_barrier()
        pltpu.sync_copy(out_sp.at[pl.ds(nbase, NPT)],
                        oacc_hbm.at[c, pl.ds(nbase, NPT)])

    return body(src, dst, xw, atab, b, mam, mb)


def _post_body(oa_ref, r_ref, wp_ref, bp_ref, o_ref):
    acc = oa_ref[0] + oa_ref[1]
    o = acc[:, :H * HID]
    s = acc[:, H * HID:H * HID + H]
    srep = jnp.dot(s, r_ref[...], preferred_element_type=jnp.float32)
    y = o / (srep + 1e-16)
    z = jnp.dot(y, wp_ref[...], preferred_element_type=jnp.float32) + bp_ref[...]
    o_ref[...] = jnp.where(z > 0, z, jnp.exp(z) - 1.0)


def _post(oacc, r4, w_proj, b_proj2):
    return pl.pallas_call(
        _post_body,
        out_shape=jax.ShapeDtypeStruct((N, OUT_DIM), jnp.float32),
    )(oacc, r4, w_proj, b_proj2)


def kernel(x, edge_index, edge_attr, W, W_edge, att, W_proj, b_proj):
    src = edge_index[0].astype(jnp.int32)
    dst = edge_index[1].astype(jnp.int32)

    w_cat = W.transpose(1, 0, 2).reshape(IN_DIM, H * HID)
    aw = jnp.zeros((H * HID, 2 * H), jnp.float32)
    for h in range(H):
        aw = aw.at[h * HID:(h + 1) * HID, h].set(att[h, :HID, 0])
        aw = aw.at[h * HID:(h + 1) * HID, H + h].set(att[h, HID:2 * HID, 0])
    wb = jnp.stack([W_edge[h] @ att[h, 2 * HID:, 0] for h in range(H)], axis=1)
    r4 = jnp.kron(jnp.eye(H, dtype=jnp.float32),
                  jnp.ones((1, HID), jnp.float32))
    b_proj2 = b_proj.reshape(1, OUT_DIM)

    xw, atab, mam = _prep_nodes(x, w_cat, aw)
    b, mb = _prep_edges(edge_attr, wb)
    oacc = _sc_gat(src, dst, xw, atab, b, mam, mb)
    return _post(oacc, r4, W_proj, b_proj2)

# --- scband reference (transcript-rebuilt; emitter-appended) ---
"""Pipeline reference for scband-multi-head-gatlayer-80444737454869 (READ-ONLY COPY).

The authoritative reference and input builder live on the scoring server;
editing this copy changes nothing except your own understanding.
"""

import jax, jax.numpy as jnp
import numpy as np

NUM_NODES = 10000
NUM_EDGES = 320000
IN_DIM = 128
HID_DIM = 32
OUT_DIM = 128
NUM_HEADS = 4
EDGE_ATTR_DIM = 16
NEG_SLOPE = 0.2


def _xavier(key, shape):
    fan_in, fan_out = shape[-2], shape[-1]
    limit = float(np.sqrt(6.0 / (fan_in + fan_out)))
    return jax.random.uniform(key, shape, dtype=jnp.float32, minval=-limit, maxval=limit)


def setup_inputs(seed: int = 0) -> dict:
    key = jax.random.key(seed)
    ks = jax.random.split(key, 8)
    x = jax.random.normal(ks[0], (NUM_NODES, IN_DIM), dtype=jnp.float32)
    edge_index = jax.random.randint(ks[1], (2, NUM_EDGES), 0, NUM_NODES, dtype=jnp.int64)
    edge_attr = jax.random.normal(ks[2], (NUM_EDGES, EDGE_ATTR_DIM), dtype=jnp.float32)
    # per-head parameters, stacked along head axis
    W = _xavier(ks[3], (NUM_HEADS, IN_DIM, HID_DIM))
    W_edge = _xavier(ks[4], (NUM_HEADS, EDGE_ATTR_DIM, HID_DIM))
    att = _xavier(ks[5], (NUM_HEADS, 3 * HID_DIM, 1))
    # output projection (nn.Linear): out = y @ W_proj.T + b_proj; store transposed form
    W_proj = _xavier(ks[6], (NUM_HEADS * HID_DIM, OUT_DIM))
    b_proj = jnp.zeros((OUT_DIM,), dtype=jnp.float32)
    return {"x": x, "edge_index": edge_index, "edge_attr": edge_attr,
            "W": W, "W_edge": W_edge, "att": att, "W_proj": W_proj, "b_proj": b_proj}


def _segment_softmax(e, idx, num_segments):
    m = jax.ops.segment_max(e, idx, num_segments=num_segments)
    m = jnp.where(jnp.isfinite(m), m, 0.0)
    ex = jnp.exp(e - m[idx])
    s = jax.ops.segment_sum(ex, idx, num_segments=num_segments)
    return ex / (s[idx] + 1e-16)


def _gat_head(x, src, dst, edge_attr, W_h, W_edge_h, att_h):
    xw = x @ W_h                                  # [N, hid]
    x_j = xw[src]                                 # source node feats per edge
    x_i = xw[dst]                                 # target node feats per edge
    edge_proj = edge_attr @ W_edge_h              # [E, hid]
    cat = jnp.concatenate([x_i, x_j, edge_proj], axis=-1)   # [E, 3*hid]
    e = jnp.squeeze(cat @ att_h, axis=-1)         # [E]
    e = jax.nn.leaky_relu(e, NEG_SLOPE)
    alpha = _segment_softmax(e, dst, NUM_NODES)   # softmax over incoming edges of dst
    msg = x_j * alpha[:, None]                    # [E, hid]
    out = jax.ops.segment_sum(msg, dst, num_segments=NUM_NODES)  # aggr='add'
    return out


def reference(x, edge_index, edge_attr, W, W_edge, att, W_proj, b_proj):
    src = edge_index[0]   # x_j (source_to_target flow)
    dst = edge_index[1]   # x_i / softmax index
    outs = [_gat_head(x, src, dst, edge_attr, W[h], W_edge[h], att[h]) for h in range(NUM_HEADS)]
    out = jnp.concatenate(outs, axis=-1)          # [N, heads*hid]
    out = out @ W_proj + b_proj                   # projection
    out = jax.nn.elu(out)
    return out

if __name__ == "__main__":
    import jax
    _d = setup_inputs()
    print(jax.jit(kernel)(*tuple(_d.values())))

</pallas_src>

<mosaic_0001>
#map = affine_map<(d0, d1) -> (0)>
#map1 = affine_map<(d0, d1) -> (0, 0)>
#map2 = affine_map<(d0, d1) -> (0, 0, 0)>
module attributes {stable_mosaic.version = 14 : i64} {
  func.func @body(%arg0: i32, %arg1: i32, %arg2: memref<320000xi32, #tpu.memory_space<hbm>>, %arg3: memref<320000xi32, #tpu.memory_space<hbm>>, %arg4: memref<10000x128xf32, #tpu.memory_space<hbm>>, %arg5: memref<10000x8xf32, #tpu.memory_space<hbm>>, %arg6: memref<320000x4xf32, #tpu.memory_space<hbm>>, %arg7: memref<8x16xf32, #tpu.memory_space<hbm>>, %arg8: memref<4x16xf32, #tpu.memory_space<hbm>>, %arg9: memref<2x10000x144xf32, #tpu.memory_space<hbm>>, %arg10: memref<80xi32, #tpu.memory_space<vmem>>, %arg11: memref<80xi32, #tpu.memory_space<vmem>>, %arg12: memref<80x4xf32, #tpu.memory_space<vmem>>, %arg13: memref<80x8xf32, #tpu.memory_space<vmem>>, %arg14: memref<80x8xf32, #tpu.memory_space<vmem>>, %arg15: memref<80x128xf32, #tpu.memory_space<vmem>>, %arg16: memref<80x144xf32, #tpu.memory_space<vmem>>, %arg17: memref<8x16xf32, #tpu.memory_space<vmem>>, %arg18: memref<4x16xf32, #tpu.memory_space<vmem>>, %arg19: memref<10000x144xf32, #tpu.memory_space<vmem_shared>>) attributes {dimension_semantics = [#tpu.dimension_semantics<core_parallel>, #tpu.dimension_semantics<subcore_parallel>], iteration_bounds = array<i64: 2, 16>, scalar_prefetch = 0 : i64, scratch_operands = 10 : i64, tpu.core_type = #tpu.core_type<sc_vector_subcore>, window_params = [{transform_indices = #map}, {transform_indices = #map}, {transform_indices = #map1}, {transform_indices = #map1}, {transform_indices = #map1}, {transform_indices = #map1}, {transform_indices = #map1}, {transform_indices = #map2}]} {
    %mul3A = arith.constant 16 : i32
    %mul3A_0 = arith.muli %arg0, %mul3A : i32
    %add3A = arith.addi %mul3A_0, %arg1 : i32
    %mul3A_1 = arith.constant 10000 : i32
    %mul3A_2 = arith.muli %add3A, %mul3A_1 : i32
    %mul3A_3 = arith.constant 625 : i32
    %mul3A_4 = arith.muli %arg1, %mul3A_3 : i32
    "tpu.region"() ({
      %run_scoped3A = tpu.sem_alloc : memref<!tpu.dma_semaphore, #tpu.memory_space<semaphore_mem>>
      tpu.enqueue_dma source(%arg7 : memref<8x16xf32, #tpu.memory_space<hbm>>) target(%arg17 : memref<8x16xf32, #tpu.memory_space<vmem>>) target_semaphore(%run_scoped3A : memref<!tpu.dma_semaphore, #tpu.memory_space<semaphore_mem>>)
      tpu.wait_dma2 semaphore(%run_scoped3A : memref<!tpu.dma_semaphore, #tpu.memory_space<semaphore_mem>>) src(%arg7 : memref<8x16xf32, #tpu.memory_space<hbm>>) dst(%arg17 : memref<8x16xf32, #tpu.memory_space<vmem>>)
      tpu.yield
    }) : () -> ()
    "tpu.region"() ({
      %run_scoped3A = tpu.sem_alloc : memref<!tpu.dma_semaphore, #tpu.memory_space<semaphore_mem>>
      tpu.enqueue_dma source(%arg8 : memref<4x16xf32, #tpu.memory_space<hbm>>) target(%arg18 : memref<4x16xf32, #tpu.memory_space<vmem>>) target_semaphore(%run_scoped3A : memref<!tpu.dma_semaphore, #tpu.memory_space<semaphore_mem>>)
      tpu.wait_dma2 semaphore(%run_scoped3A : memref<!tpu.dma_semaphore, #tpu.memory_space<semaphore_mem>>) src(%arg8 : memref<4x16xf32, #tpu.memory_space<hbm>>) dst(%arg18 : memref<4x16xf32, #tpu.memory_space<vmem>>)
      tpu.yield
    }) : () -> ()
    %get3A = arith.constant 0 : i32
    %get3A_5 = arith.index_cast %get3A : i32 to index
    %get3A_6 = arith.constant 0 : index
    %get3A_7 = tpu.vector_load %arg17[%get3A_5, %get3A_6] {strides = array<i32>} : memref<8x16xf32, #tpu.memory_space<vmem>>, vector<16xf32>,
    %get3A_8 = arith.constant 4 : i32
    %get3A_9 = arith.index_cast %get3A_8 : i32 to index
    %get3A_10 = arith.constant 0 : index
    %get3A_11 = tpu.vector_load %arg17[%get3A_9, %get3A_10] {strides = array<i32>} : memref<8x16xf32, #tpu.memory_space<vmem>>, vector<16xf32>,
    %add3A_12 = arith.addf %get3A_7, %get3A_11 : vector<16xf32>
    %get3A_13 = arith.constant 0 : i32
    %get3A_14 = arith.index_cast %get3A_13 : i32 to index
    %get3A_15 = arith.constant 0 : index
    %get3A_16 = tpu.vector_load %arg18[%get3A_14, %get3A_15] {strides = array<i32>} : memref<4x16xf32, #tpu.memory_space<vmem>>, vector<16xf32>,
    %add3A_17 = arith.addf %add3A_12, %get3A_16 : vector<16xf32>
    %mul3A_18 = arith.constant 2.000000e-01 : f32
    %mul3A_19 = vector.broadcast %mul3A_18 : f32 to vector<16xf32>
    %mul3A_20 = arith.mulf %mul3A_19, %add3A_17 : vector<16xf32>
    %max3A = arith.maximumf %add3A_17, %mul3A_20 : vector<16xf32>
    %get3A_21 = arith.constant 1 : i32
    %get3A_22 = arith.index_cast %get3A_21 : i32 to index
    %get3A_23 = arith.constant 0 : index
    %get3A_24 = tpu.vector_load %arg17[%get3A_22, %get3A_23] {strides = array<i32>} : memref<8x16xf32, #tpu.memory_space<vmem>>, vector<16xf32>,
    %get3A_25 = arith.constant 5 : i32
    %get3A_26 = arith.index_cast %get3A_25 : i32 to index
    %get3A_27 = arith.constant 0 : index
    %get3A_28 = tpu.vector_load %arg17[%get3A_26, %get3A_27] {strides = array<i32>} : memref<8x16xf32, #tpu.memory_space<vmem>>, vector<16xf32>,
    %add3A_29 = arith.addf %get3A_24, %get3A_28 : vector<16xf32>
    %get3A_30 = arith.constant 1 : i32
    %get3A_31 = arith.index_cast %get3A_30 : i32 to index
    %get3A_32 = arith.constant 0 : index
    %get3A_33 = tpu.vector_load %arg18[%get3A_31, %get3A_32] {strides = array<i32>} : memref<4x16xf32, #tpu.memory_space<vmem>>, vector<16xf32>,
    %add3A_34 = arith.addf %add3A_29, %get3A_33 : vector<16xf32>
    %mul3A_35 = arith.constant 2.000000e-01 : f32
    %mul3A_36 = vector.broadcast %mul3A_35 : f32 to vector<16xf32>
    %mul3A_37 = arith.mulf %mul3A_36, %add3A_34 : vector<16xf32>
    %max3A_38 = arith.maximumf %add3A_34, %mul3A_37 : vector<16xf32>
    %get3A_39 = arith.constant 2 : i32
    %get3A_40 = arith.index_cast %get3A_39 : i32 to index
    %get3A_41 = arith.constant 0 : index
    %get3A_42 = tpu.vector_load %arg17[%get3A_40, %get3A_41] {strides = array<i32>} : memref<8x16xf32, #tpu.memory_space<vmem>>, vector<16xf32>,
    %get3A_43 = arith.constant 6 : i32
    %get3A_44 = arith.index_cast %get3A_43 : i32 to index
    %get3A_45 = arith.constant 0 : index
    %get3A_46 = tpu.vector_load %arg17[%get3A_44, %get3A_45] {strides = array<i32>} : memref<8x16xf32, #tpu.memory_space<vmem>>, vector<16xf32>,
    %add3A_47 = arith.addf %get3A_42, %get3A_46 : vector<16xf32>
    %get3A_48 = arith.constant 2 : i32
    %get3A_49 = arith.index_cast %get3A_48 : i32 to index
    %get3A_50 = arith.constant 0 : index
    %get3A_51 = tpu.vector_load %arg18[%get3A_49, %get3A_50] {strides = array<i32>} : memref<4x16xf32, #tpu.memory_space<vmem>>, vector<16xf32>,
    %add3A_52 = arith.addf %add3A_47, %get3A_51 : vector<16xf32>
    %mul3A_53 = arith.constant 2.000000e-01 : f32
    %mul3A_54 = vector.broadcast %mul3A_53 : f32 to vector<16xf32>
    %mul3A_55 = arith.mulf %mul3A_54, %add3A_52 : vector<16xf32>
    %max3A_56 = arith.maximumf %add3A_52, %mul3A_55 : vector<16xf32>
    %get3A_57 = arith.constant 3 : i32
    %get3A_58 = arith.index_cast %get3A_57 : i32 to index
    %get3A_59 = arith.constant 0 : index
    %get3A_60 = tpu.vector_load %arg17[%get3A_58, %get3A_59] {strides = array<i32>} : memref<8x16xf32, #tpu.memory_space<vmem>>, vector<16xf32>,
    %get3A_61 = arith.constant 7 : i32
    %get3A_62 = arith.index_cast %get3A_61 : i32 to index
    %get3A_63 = arith.constant 0 : index
    %get3A_64 = tpu.vector_load %arg17[%get3A_62, %get3A_63] {strides = array<i32>} : memref<8x16xf32, #tpu.memory_space<vmem>>, vector<16xf32>,
    %add3A_65 = arith.addf %get3A_60, %get3A_64 : vector<16xf32>
    %get3A_66 = arith.constant 3 : i32
    %get3A_67 = arith.index_cast %get3A_66 : i32 to index
    %get3A_68 = arith.constant 0 : index
    %get3A_69 = tpu.vector_load %arg18[%get3A_67, %get3A_68] {strides = array<i32>} : memref<4x16xf32, #tpu.memory_space<vmem>>, vector<16xf32>,
    %add3A_70 = arith.addf %add3A_65, %get3A_69 : vector<16xf32>
    %mul3A_71 = arith.constant 2.000000e-01 : f32
    %mul3A_72 = vector.broadcast %mul3A_71 : f32 to vector<16xf32>
    %mul3A_73 = arith.mulf %mul3A_72, %add3A_70 : vector<16xf32>
    %max3A_74 = arith.maximumf %add3A_70, %mul3A_73 : vector<16xf32>
    %broadcast_in_dim3A = arith.constant 0.000000e+00 : f32
    %broadcast_in_dim3A_75 = vector.broadcast %broadcast_in_dim3A : f32 to vector<16xf32>
    %scan3A = arith.constant 0 : i32
    %scan3A_76 = arith.constant 80 : i32
    %scan3A_77 = arith.addi %scan3A, %scan3A_76 : i32
    %scan3A_78 = arith.constant 1 : i32
    scf.for %scan3A_103 = %scan3A to %scan3A_77 step %scan3A_78  : i32 {
      %mul3A_104 = arith.constant 1 : i32
      %mul3A_105 = arith.muli %scan3A_103, %mul3A_104 : i32
      %add3A_106 = arith.constant 0 : i32
      %add3A_107 = arith.addi %add3A_106, %mul3A_105 : i32
      %swap3A = arith.index_cast %add3A_107 : i32 to index
      %swap3A_108 = arith.constant 0 : index
      %swap3A_109 = tpu.vector_load %arg16[%swap3A, %swap3A_108] {strides = array<i32>} : memref<80x144xf32, #tpu.memory_space<vmem>>, vector<16xf32>,
      tpu.vector_store %arg16[%swap3A, %swap3A_108], %broadcast_in_dim3A_75 {strides = array<i32>} : memref<80x144xf32, #tpu.memory_space<vmem>>, vector<16xf32>,
      %swap3A_110 = arith.index_cast %add3A_107 : i32 to index
      %swap3A_111 = arith.constant 16 : index
      %swap3A_112 = tpu.vector_load %arg16[%swap3A_110, %swap3A_111] {strides = array<i32>} : memref<80x144xf32, #tpu.memory_space<vmem>>, vector<16xf32>,
      tpu.vector_store %arg16[%swap3A_110, %swap3A_111], %broadcast_in_dim3A_75 {strides = array<i32>} : memref<80x144xf32, #tpu.memory_space<vmem>>, vector<16xf32>,
      %swap3A_113 = arith.index_cast %add3A_107 : i32 to index
      %swap3A_114 = arith.constant 32 : index
      %swap3A_115 = tpu.vector_load %arg16[%swap3A_113, %swap3A_114] {strides = array<i32>} : memref<80x144xf32, #tpu.memory_space<vmem>>, vector<16xf32>,
      tpu.vector_store %arg16[%swap3A_113, %swap3A_114], %broadcast_in_dim3A_75 {strides = array<i32>} : memref<80x144xf32, #tpu.memory_space<vmem>>, vector<16xf32>,
      %swap3A_116 = arith.index_cast %add3A_107 : i32 to index
      %swap3A_117 = arith.constant 48 : index
      %swap3A_118 = tpu.vector_load %arg16[%swap3A_116, %swap3A_117] {strides = array<i32>} : memref<80x144xf32, #tpu.memory_space<vmem>>, vector<16xf32>,
      tpu.vector_store %arg16[%swap3A_116, %swap3A_117], %broadcast_in_dim3A_75 {strides = array<i32>} : memref<80x144xf32, #tpu.memory_space<vmem>>, vector<16xf32>,
      %swap3A_119 = arith.index_cast %add3A_107 : i32 to index
      %swap3A_120 = arith.constant 64 : index
      %swap3A_121 = tpu.vector_load %arg16[%swap3A_119, %swap3A_120] {strides = array<i32>} : memref<80x144xf32, #tpu.memory_space<vmem>>, vector<16xf32>,
      tpu.vector_store %arg16[%swap3A_119, %swap3A_120], %broadcast_in_dim3A_75 {strides = array<i32>} : memref<80x144xf32, #tpu.memory_space<vmem>>, vector<16xf32>,
      %swap3A_122 = arith.index_cast %add3A_107 : i32 to index
      %swap3A_123 = arith.constant 80 : index
      %swap3A_124 = tpu.vector_load %arg16[%swap3A_122, %swap3A_123] {strides = array<i32>} : memref<80x144xf32, #tpu.memory_space<vmem>>, vector<16xf32>,
      tpu.vector_store %arg16[%swap3A_122, %swap3A_123], %broadcast_in_dim3A_75 {strides = array<i32>} : memref<80x144xf32, #tpu.memory_space<vmem>>, vector<16xf32>,
      %swap3A_125 = arith.index_cast %add3A_107 : i32 to index
      %swap3A_126 = arith.constant 96 : index
      %swap3A_127 = tpu.vector_load %arg16[%swap3A_125, %swap3A_126] {strides = array<i32>} : memref<80x144xf32, #tpu.memory_space<vmem>>, vector<16xf32>,
      tpu.vector_store %arg16[%swap3A_125, %swap3A_126], %broadcast_in_dim3A_75 {strides = array<i32>} : memref<80x144xf32, #tpu.memory_space<vmem>>, vector<16xf32>,
      %swap3A_128 = arith.index_cast %add3A_107 : i32 to index
      %swap3A_129 = arith.constant 112 : index
      %swap3A_130 = tpu.vector_load %arg16[%swap3A_128, %swap3A_129] {strides = array<i32>} : memref<80x144xf32, #tpu.memory_space<vmem>>, vector<16xf32>,
      tpu.vector_store %arg16[%swap3A_128, %swap3A_129], %broadcast_in_dim3A_75 {strides = array<i32>} : memref<80x144xf32, #tpu.memory_space<vmem>>, vector<16xf32>,
      %swap3A_131 = arith.index_cast %add3A_107 : i32 to index
      %swap3A_132 = arith.constant 128 : index
      %swap3A_133 = tpu.vector_load %arg16[%swap3A_131, %swap3A_132] {strides = array<i32>} : memref<80x144xf32, #tpu.memory_space<vmem>>, vector<16xf32>,
      tpu.vector_store %arg16[%swap3A_131, %swap3A_132], %broadcast_in_dim3A_75 {strides = array<i32>} : memref<80x144xf32, #tpu.memory_space<vmem>>, vector<16xf32>,
    }
    %scan3A_79 = arith.constant 80 : i32
    %add3A_80 = arith.constant 0 : i32
    %add3A_81 = arith.addi %mul3A_4, %add3A_80 : i32
    "tpu.region"() ({
      %run_scoped3A = tpu.sem_alloc : memref<!tpu.dma_semaphore, #tpu.memory_space<semaphore_mem>>
      %dma_start3A = arith.constant 0 : i32
      %dma_start3A_103 = tpu.memref_slice %arg19[%add3A_81, %dma_start3A] : memref<10000x144xf32, #tpu.memory_space<vmem_shared>> -> memref<80x144xf32, #tpu.memory_space<vmem_shared>>
      %dma_start3A_104 = arith.constant 0 : i32
      %dma_start3A_105 = tpu.memref_slice %arg19[%add3A_81, %dma_start3A_104] : memref<10000x144xf32, #tpu.memory_space<vmem_shared>> -> memref<80x144xf32, #tpu.memory_space<vmem_shared>>
      tpu.enqueue_dma source(%arg16 : memref<80x144xf32, #tpu.memory_space<vmem>>) target(%dma_start3A_105 : memref<80x144xf32, #tpu.memory_space<vmem_shared>>) target_semaphore(%run_scoped3A : memref<!tpu.dma_semaphore, #tpu.memory_space<semaphore_mem>>)
      %dma_wait3A = arith.constant 0 : i32
      %dma_wait3A_106 = tpu.memref_slice %arg19[%add3A_81, %dma_wait3A] : memref<10000x144xf32, #tpu.memory_space<vmem_shared>> -> memref<80x144xf32, #tpu.memory_space<vmem_shared>>
      %dma_wait3A_107 = arith.constant 0 : i32
      %dma_wait3A_108 = tpu.memref_slice %arg19[%add3A_81, %dma_wait3A_107] : memref<10000x144xf32, #tpu.memory_space<vmem_shared>> -> memref<80x144xf32, #tpu.memory_space<vmem_shared>>
      tpu.wait_dma2 semaphore(%run_scoped3A : memref<!tpu.dma_semaphore, #tpu.memory_space<semaphore_mem>>) src(%arg16 : memref<80x144xf32, #tpu.memory_space<vmem>>) dst(%dma_wait3A_108 : memref<80x144xf32, #tpu.memory_space<vmem_shared>>)
      tpu.yield
    }) : () -> ()
    %add3A_82 = arith.constant 80 : i32
    %add3A_83 = arith.addi %mul3A_4, %add3A_82 : i32
    "tpu.region"() ({
      %run_scoped3A = tpu.sem_alloc : memref<!tpu.dma_semaphore, #tpu.memory_space<semaphore_mem>>
      %dma_start3A = arith.constant 0 : i32
      %dma_start3A_103 = tpu.memref_slice %arg19[%add3A_83, %dma_start3A] : memref<10000x144xf32, #tpu.memory_space<vmem_shared>> -> memref<80x144xf32, #tpu.memory_space<vmem_shared>>
      %dma_start3A_104 = arith.constant 0 : i32
      %dma_start3A_105 = tpu.memref_slice %arg19[%add3A_83, %dma_start3A_104] : memref<10000x144xf32, #tpu.memory_space<vmem_shared>> -> memref<80x144xf32, #tpu.memory_space<vmem_shared>>
      tpu.enqueue_dma source(%arg16 : memref<80x144xf32, #tpu.memory_space<vmem>>) target(%dma_start3A_105 : memref<80x144xf32, #tpu.memory_space<vmem_shared>>) target_semaphore(%run_scoped3A : memref<!tpu.dma_semaphore, #tpu.memory_space<semaphore_mem>>)
      %dma_wait3A = arith.constant 0 : i32
      %dma_wait3A_106 = tpu.memref_slice %arg19[%add3A_83, %dma_wait3A] : memref<10000x144xf32, #tpu.memory_space<vmem_shared>> -> memref<80x144xf32, #tpu.memory_space<vmem_shared>>
      %dma_wait3A_107 = arith.constant 0 : i32
      %dma_wait3A_108 = tpu.memref_slice %arg19[%add3A_83, %dma_wait3A_107] : memref<10000x144xf32, #tpu.memory_space<vmem_shared>> -> memref<80x144xf32, #tpu.memory_space<vmem_shared>>
      tpu.wait_dma2 semaphore(%run_scoped3A : memref<!tpu.dma_semaphore, #tpu.memory_space<semaphore_mem>>) src(%arg16 : memref<80x144xf32, #tpu.memory_space<vmem>>) dst(%dma_wait3A_108 : memref<80x144xf32, #tpu.memory_space<vmem_shared>>)
      tpu.yield
    }) : () -> ()
    %add3A_84 = arith.constant 160 : i32
    %add3A_85 = arith.addi %mul3A_4, %add3A_84 : i32
    "tpu.region"() ({
      %run_scoped3A = tpu.sem_alloc : memref<!tpu.dma_semaphore, #tpu.memory_space<semaphore_mem>>
      %dma_start3A = arith.constant 0 : i32
      %dma_start3A_103 = tpu.memref_slice %arg19[%add3A_85, %dma_start3A] : memref<10000x144xf32, #tpu.memory_space<vmem_shared>> -> memref<80x144xf32, #tpu.memory_space<vmem_shared>>
      %dma_start3A_104 = arith.constant 0 : i32
      %dma_start3A_105 = tpu.memref_slice %arg19[%add3A_85, %dma_start3A_104] : memref<10000x144xf32, #tpu.memory_space<vmem_shared>> -> memref<80x144xf32, #tpu.memory_space<vmem_shared>>
      tpu.enqueue_dma source(%arg16 : memref<80x144xf32, #tpu.memory_space<vmem>>) target(%dma_start3A_105 : memref<80x144xf32, #tpu.memory_space<vmem_shared>>) target_semaphore(%run_scoped3A : memref<!tpu.dma_semaphore, #tpu.memory_space<semaphore_mem>>)
      %dma_wait3A = arith.constant 0 : i32
      %dma_wait3A_106 = tpu.memref_slice %arg19[%add3A_85, %dma_wait3A] : memref<10000x144xf32, #tpu.memory_space<vmem_shared>> -> memref<80x144xf32, #tpu.memory_space<vmem_shared>>
      %dma_wait3A_107 = arith.constant 0 : i32
      %dma_wait3A_108 = tpu.memref_slice %arg19[%add3A_85, %dma_wait3A_107] : memref<10000x144xf32, #tpu.memory_space<vmem_shared>> -> memref<80x144xf32, #tpu.memory_space<vmem_shared>>
      tpu.wait_dma2 semaphore(%run_scoped3A : memref<!tpu.dma_semaphore, #tpu.memory_space<semaphore_mem>>) src(%arg16 : memref<80x144xf32, #tpu.memory_space<vmem>>) dst(%dma_wait3A_108 : memref<80x144xf32, #tpu.memory_space<vmem_shared>>)
      tpu.yield
    }) : () -> ()
    %add3A_86 = arith.constant 240 : i32
    %add3A_87 = arith.addi %mul3A_4, %add3A_86 : i32
    "tpu.region"() ({
      %run_scoped3A = tpu.sem_alloc : memref<!tpu.dma_semaphore, #tpu.memory_space<semaphore_mem>>
      %dma_start3A = arith.constant 0 : i32
      %dma_start3A_103 = tpu.memref_slice %arg19[%add3A_87, %dma_start3A] : memref<10000x144xf32, #tpu.memory_space<vmem_shared>> -> memref<80x144xf32, #tpu.memory_space<vmem_shared>>
      %dma_start3A_104 = arith.constant 0 : i32
      %dma_start3A_105 = tpu.memref_slice %arg19[%add3A_87, %dma_start3A_104] : memref<10000x144xf32, #tpu.memory_space<vmem_shared>> -> memref<80x144xf32, #tpu.memory_space<vmem_shared>>
      tpu.enqueue_dma source(%arg16 : memref<80x144xf32, #tpu.memory_space<vmem>>) target(%dma_start3A_105 : memref<80x144xf32, #tpu.memory_space<vmem_shared>>) target_semaphore(%run_scoped3A : memref<!tpu.dma_semaphore, #tpu.memory_space<semaphore_mem>>)
      %dma_wait3A = arith.constant 0 : i32
      %dma_wait3A_106 = tpu.memref_slice %arg19[%add3A_87, %dma_wait3A] : memref<10000x144xf32, #tpu.memory_space<vmem_shared>> -> memref<80x144xf32, #tpu.memory_space<vmem_shared>>
      %dma_wait3A_107 = arith.constant 0 : i32
      %dma_wait3A_108 = tpu.memref_slice %arg19[%add3A_87, %dma_wait3A_107] : memref<10000x144xf32, #tpu.memory_space<vmem_shared>> -> memref<80x144xf32, #tpu.memory_space<vmem_shared>>
      tpu.wait_dma2 semaphore(%run_scoped3A : memref<!tpu.dma_semaphore, #tpu.memory_space<semaphore_mem>>) src(%arg16 : memref<80x144xf32, #tpu.memory_space<vmem>>) dst(%dma_wait3A_108 : memref<80x144xf32, #tpu.memory_space<vmem_shared>>)
      tpu.yield
    }) : () -> ()
    %add3A_88 = arith.constant 320 : i32
    %add3A_89 = arith.addi %mul3A_4, %add3A_88 : i32
    "tpu.region"() ({
      %run_scoped3A = tpu.sem_alloc : memref<!tpu.dma_semaphore, #tpu.memory_space<semaphore_mem>>
      %dma_start3A = arith.constant 0 : i32
      %dma_start3A_103 = tpu.memref_slice %arg19[%add3A_89, %dma_start3A] : memref<10000x144xf32, #tpu.memory_space<vmem_shared>> -> memref<80x144xf32, #tpu.memory_space<vmem_shared>>
      %dma_start3A_104 = arith.constant 0 : i32
      %dma_start3A_105 = tpu.memref_slice %arg19[%add3A_89, %dma_start3A_104] : memref<10000x144xf32, #tpu.memory_space<vmem_shared>> -> memref<80x144xf32, #tpu.memory_space<vmem_shared>>
      tpu.enqueue_dma source(%arg16 : memref<80x144xf32, #tpu.memory_space<vmem>>) target(%dma_start3A_105 : memref<80x144xf32, #tpu.memory_space<vmem_shared>>) target_semaphore(%run_scoped3A : memref<!tpu.dma_semaphore, #tpu.memory_space<semaphore_mem>>)
      %dma_wait3A = arith.constant 0 : i32
      %dma_wait3A_106 = tpu.memref_slice %arg19[%add3A_89, %dma_wait3A] : memref<10000x144xf32, #tpu.memory_space<vmem_shared>> -> memref<80x144xf32, #tpu.memory_space<vmem_shared>>
      %dma_wait3A_107 = arith.constant 0 : i32
      %dma_wait3A_108 = tpu.memref_slice %arg19[%add3A_89, %dma_wait3A_107] : memref<10000x144xf32, #tpu.memory_space<vmem_shared>> -> memref<80x144xf32, #tpu.memory_space<vmem_shared>>
      tpu.wait_dma2 semaphore(%run_scoped3A : memref<!tpu.dma_semaphore, #tpu.memory_space<semaphore_mem>>) src(%arg16 : memref<80x144xf32, #tpu.memory_space<vmem>>) dst(%dma_wait3A_108 : memref<80x144xf32, #tpu.memory_space<vmem_shared>>)
      tpu.yield
    }) : () -> ()
    %add3A_90 = arith.constant 400 : i32
    %add3A_91 = arith.addi %mul3A_4, %add3A_90 : i32
    "tpu.region"() ({
      %run_scoped3A = tpu.sem_alloc : memref<!tpu.dma_semaphore, #tpu.memory_space<semaphore_mem>>
      %dma_start3A = arith.constant 0 : i32
      %dma_start3A_103 = tpu.memref_slice %arg19[%add3A_91, %dma_start3A] : memref<10000x144xf32, #tpu.memory_space<vmem_shared>> -> memref<80x144xf32, #tpu.memory_space<vmem_shared>>
      %dma_start3A_104 = arith.constant 0 : i32
      %dma_start3A_105 = tpu.memref_slice %arg19[%add3A_91, %dma_start3A_104] : memref<10000x144xf32, #tpu.memory_space<vmem_shared>> -> memref<80x144xf32, #tpu.memory_space<vmem_shared>>
      tpu.enqueue_dma source(%arg16 : memref<80x144xf32, #tpu.memory_space<vmem>>) target(%dma_start3A_105 : memref<80x144xf32, #tpu.memory_space<vmem_shared>>) target_semaphore(%run_scoped3A : memref<!tpu.dma_semaphore, #tpu.memory_space<semaphore_mem>>)
      %dma_wait3A = arith.constant 0 : i32
      %dma_wait3A_106 = tpu.memref_slice %arg19[%add3A_91, %dma_wait3A] : memref<10000x144xf32, #tpu.memory_space<vmem_shared>> -> memref<80x144xf32, #tpu.memory_space<vmem_shared>>
      %dma_wait3A_107 = arith.constant 0 : i32
      %dma_wait3A_108 = tpu.memref_slice %arg19[%add3A_91, %dma_wait3A_107] : memref<10000x144xf32, #tpu.memory_space<vmem_shared>> -> memref<80x144xf32, #tpu.memory_space<vmem_shared>>
      tpu.wait_dma2 semaphore(%run_scoped3A : memref<!tpu.dma_semaphore, #tpu.memory_space<semaphore_mem>>) src(%arg16 : memref<80x144xf32, #tpu.memory_space<vmem>>) dst(%dma_wait3A_108 : memref<80x144xf32, #tpu.memory_space<vmem_shared>>)
      tpu.yield
    }) : () -> ()
    %add3A_92 = arith.constant 480 : i32
    %add3A_93 = arith.addi %mul3A_4, %add3A_92 : i32
    "tpu.region"() ({
      %run_scoped3A = tpu.sem_alloc : memref<!tpu.dma_semaphore, #tpu.memory_space<semaphore_mem>>
      %dma_start3A = arith.constant 0 : i32
      %dma_start3A_103 = tpu.memref_slice %arg19[%add3A_93, %dma_start3A] : memref<10000x144xf32, #tpu.memory_space<vmem_shared>> -> memref<80x144xf32, #tpu.memory_space<vmem_shared>>
      %dma_start3A_104 = arith.constant 0 : i32
      %dma_start3A_105 = tpu.memref_slice %arg19[%add3A_93, %dma_start3A_104] : memref<10000x144xf32, #tpu.memory_space<vmem_shared>> -> memref<80x144xf32, #tpu.memory_space<vmem_shared>>
      tpu.enqueue_dma source(%arg16 : memref<80x144xf32, #tpu.memory_space<vmem>>) target(%dma_start3A_105 : memref<80x144xf32, #tpu.memory_space<vmem_shared>>) target_semaphore(%run_scoped3A : memref<!tpu.dma_semaphore, #tpu.memory_space<semaphore_mem>>)
      %dma_wait3A = arith.constant 0 : i32
      %dma_wait3A_106 = tpu.memref_slice %arg19[%add3A_93, %dma_wait3A] : memref<10000x144xf32, #tpu.memory_space<vmem_shared>> -> memref<80x144xf32, #tpu.memory_space<vmem_shared>>
      %dma_wait3A_107 = arith.constant 0 : i32
      %dma_wait3A_108 = tpu.memref_slice %arg19[%add3A_93, %dma_wait3A_107] : memref<10000x144xf32, #tpu.memory_space<vmem_shared>> -> memref<80x144xf32, #tpu.memory_space<vmem_shared>>
      tpu.wait_dma2 semaphore(%run_scoped3A : memref<!tpu.dma_semaphore, #tpu.memory_space<semaphore_mem>>) src(%arg16 : memref<80x144xf32, #tpu.memory_space<vmem>>) dst(%dma_wait3A_108 : memref<80x144xf32, #tpu.memory_space<vmem_shared>>)
      tpu.yield
    }) : () -> ()
    %add3A_94 = arith.constant 625 : i32
    %add3A_95 = arith.addi %mul3A_4, %add3A_94 : i32
    %sub3A = arith.constant 65 : i32
    %sub3A_96 = arith.subi %add3A_95, %sub3A : i32
    "tpu.region"() ({
      %run_scoped3A = tpu.sem_alloc : memref<!tpu.dma_semaphore, #tpu.memory_space<semaphore_mem>>
      %dma_start3A = arith.constant 0 : i32
      %dma_start3A_103 = arith.constant 0 : i32
      %dma_start3A_104 = tpu.memref_slice %arg16[%dma_start3A, %dma_start3A_103] : memref<80x144xf32, #tpu.memory_space<vmem>> -> memref<65x144xf32, #tpu.memory_space<vmem>>
      %dma_start3A_105 = arith.constant 0 : i32
      %dma_start3A_106 = tpu.memref_slice %arg19[%sub3A_96, %dma_start3A_105] : memref<10000x144xf32, #tpu.memory_space<vmem_shared>> -> memref<65x144xf32, #tpu.memory_space<vmem_shared>>
      %dma_start3A_107 = arith.constant 0 : i32
      %dma_start3A_108 = tpu.memref_slice %arg19[%sub3A_96, %dma_start3A_107] : memref<10000x144xf32, #tpu.memory_space<vmem_shared>> -> memref<65x144xf32, #tpu.memory_space<vmem_shared>>
      %dma_start3A_109 = arith.constant 0 : i32
      %dma_start3A_110 = arith.constant 0 : i32
      %dma_start3A_111 = tpu.memref_slice %arg16[%dma_start3A_109, %dma_start3A_110] : memref<80x144xf32, #tpu.memory_space<vmem>> -> memref<65x144xf32, #tpu.memory_space<vmem>>
      tpu.enqueue_dma source(%dma_start3A_111 : memref<65x144xf32, #tpu.memory_space<vmem>>) target(%dma_start3A_108 : memref<65x144xf32, #tpu.memory_space<vmem_shared>>) target_semaphore(%run_scoped3A : memref<!tpu.dma_semaphore, #tpu.memory_space<semaphore_mem>>)
      %dma_wait3A = arith.constant 0 : i32
      %dma_wait3A_112 = arith.constant 0 : i32
      %dma_wait3A_113 = tpu.memref_slice %arg16[%dma_wait3A, %dma_wait3A_112] : memref<80x144xf32, #tpu.memory_space<vmem>> -> memref<65x144xf32, #tpu.memory_space<vmem>>
      %dma_wait3A_114 = arith.constant 0 : i32
      %dma_wait3A_115 = tpu.memref_slice %arg19[%sub3A_96, %dma_wait3A_114] : memref<10000x144xf32, #tpu.memory_space<vmem_shared>> -> memref<65x144xf32, #tpu.memory_space<vmem_shared>>
      %dma_wait3A_116 = arith.constant 0 : i32
      %dma_wait3A_117 = tpu.memref_slice %arg19[%sub3A_96, %dma_wait3A_116] : memref<10000x144xf32, #tpu.memory_space<vmem_shared>> -> memref<65x144xf32, #tpu.memory_space<vmem_shared>>
      %dma_wait3A_118 = arith.constant 0 : i32
      %dma_wait3A_119 = arith.constant 0 : i32
      %dma_wait3A_120 = tpu.memref_slice %arg16[%dma_wait3A_118, %dma_wait3A_119] : memref<80x144xf32, #tpu.memory_space<vmem>> -> memref<65x144xf32, #tpu.memory_space<vmem>>
      tpu.wait_dma2 semaphore(%run_scoped3A : memref<!tpu.dma_semaphore, #tpu.memory_space<semaphore_mem>>) src(%dma_wait3A_120 : memref<65x144xf32, #tpu.memory_space<vmem>>) dst(%dma_wait3A_117 : memref<65x144xf32, #tpu.memory_space<vmem_shared>>)
      tpu.yield
    }) : () -> ()
    %barrier3A = arith.constant 0 : index
    tpu.barrier barrier_id(%barrier3A)
    %iota3A = tpu.iota {dimensions = array<i32: 0>} : vector<16xi32>
    %scan3A_97 = arith.constant 0 : i32
    %scan3A_98 = arith.constant 125 : i32
    %scan3A_99 = arith.addi %scan3A_97, %scan3A_98 : i32
    %scan3A_100 = arith.constant 1 : i32
    scf.for %scan3A_103 = %scan3A_97 to %scan3A_99 step %scan3A_100  : i32 {
      %mul3A_104 = arith.constant 1 : i32
      %mul3A_105 = arith.muli %scan3A_103, %mul3A_104 : i32
      %add3A_106 = arith.constant 0 : i32
      %add3A_107 = arith.addi %add3A_106, %mul3A_105 : i32
      %mul3A_108 = arith.constant 80 : i32
      %mul3A_109 = arith.muli %add3A_107, %mul3A_108 : i32
      %add3A_110 = arith.addi %mul3A_2, %mul3A_109 : i32
      "tpu.region"() ({
        %run_scoped3A = tpu.sem_alloc : memref<!tpu.dma_semaphore, #tpu.memory_space<semaphore_mem>>
        %dma_start3A = tpu.memref_slice %arg2[%add3A_110] : memref<320000xi32, #tpu.memory_space<hbm>> -> memref<80xi32, #tpu.memory_space<hbm>>
        %dma_start3A_489 = tpu.memref_slice %arg2[%add3A_110] : memref<320000xi32, #tpu.memory_space<hbm>> -> memref<80xi32, #tpu.memory_space<hbm>>
        tpu.enqueue_dma source(%dma_start3A_489 : memref<80xi32, #tpu.memory_space<hbm>>) target(%arg10 : memref<80xi32, #tpu.memory_space<vmem>>) target_semaphore(%run_scoped3A : memref<!tpu.dma_semaphore, #tpu.memory_space<semaphore_mem>>)
        %dma_wait3A = tpu.memref_slice %arg2[%add3A_110] : memref<320000xi32, #tpu.memory_space<hbm>> -> memref<80xi32, #tpu.memory_space<hbm>>
        %dma_wait3A_490 = tpu.memref_slice %arg2[%add3A_110] : memref<320000xi32, #tpu.memory_space<hbm>> -> memref<80xi32, #tpu.memory_space<hbm>>
        tpu.wait_dma2 semaphore(%run_scoped3A : memref<!tpu.dma_semaphore, #tpu.memory_space<semaphore_mem>>) src(%dma_wait3A_490 : memref<80xi32, #tpu.memory_space<hbm>>) dst(%arg10 : memref<80xi32, #tpu.memory_space<vmem>>)
        tpu.yield
      }) : () -> ()
      "tpu.region"() ({
        %run_scoped3A = tpu.sem_alloc : memref<!tpu.dma_semaphore, #tpu.memory_space<semaphore_mem>>
        %dma_start3A = tpu.memref_slice %arg3[%add3A_110] : memref<320000xi32, #tpu.memory_space<hbm>> -> memref<80xi32, #tpu.memory_space<hbm>>
        %dma_start3A_489 = tpu.memref_slice %arg3[%add3A_110] : memref<320000xi32, #tpu.memory_space<hbm>> -> memref<80xi32, #tpu.memory_space<hbm>>
        tpu.enqueue_dma source(%dma_start3A_489 : memref<80xi32, #tpu.memory_space<hbm>>) target(%arg11 : memref<80xi32, #tpu.memory_space<vmem>>) target_semaphore(%run_scoped3A : memref<!tpu.dma_semaphore, #tpu.memory_space<semaphore_mem>>)
        %dma_wait3A = tpu.memref_slice %arg3[%add3A_110] : memref<320000xi32, #tpu.memory_space<hbm>> -> memref<80xi32, #tpu.memory_space<hbm>>
        %dma_wait3A_490 = tpu.memref_slice %arg3[%add3A_110] : memref<320000xi32, #tpu.memory_space<hbm>> -> memref<80xi32, #tpu.memory_space<hbm>>
        tpu.wait_dma2 semaphore(%run_scoped3A : memref<!tpu.dma_semaphore, #tpu.memory_space<semaphore_mem>>) src(%dma_wait3A_490 : memref<80xi32, #tpu.memory_space<hbm>>) dst(%arg11 : memref<80xi32, #tpu.memory_space<vmem>>)
        tpu.yield
      }) : () -> ()
      "tpu.region"() ({
        %run_scoped3A = tpu.sem_alloc : memref<!tpu.dma_semaphore, #tpu.memory_space<semaphore_mem>>
        %dma_start3A = arith.constant 0 : i32
        %dma_start3A_489 = tpu.memref_slice %arg6[%add3A_110, %dma_start3A] : memref<320000x4xf32, #tpu.memory_space<hbm>> -> memref<80x4xf32, #tpu.memory_space<hbm>>
        %dma_start3A_490 = arith.constant 0 : i32
        %dma_start3A_491 = tpu.memref_slice %arg6[%add3A_110, %dma_start3A_490] : memref<320000x4xf32, #tpu.memory_space<hbm>> -> memref<80x4xf32, #tpu.memory_space<hbm>>
        tpu.enqueue_dma source(%dma_start3A_491 : memref<80x4xf32, #tpu.memory_space<hbm>>) target(%arg12 : memref<80x4xf32, #tpu.memory_space<vmem>>) target_semaphore(%run_scoped3A : memref<!tpu.dma_semaphore, #tpu.memory_space<semaphore_mem>>)
        %dma_wait3A = arith.constant 0 : i32
        %dma_wait3A_492 = tpu.memref_slice %arg6[%add3A_110, %dma_wait3A] : memref<320000x4xf32, #tpu.memory_space<hbm>> -> memref<80x4xf32, #tpu.memory_space<hbm>>
        %dma_wait3A_493 = arith.constant 0 : i32
        %dma_wait3A_494 = tpu.memref_slice %arg6[%add3A_110, %dma_wait3A_493] : memref<320000x4xf32, #tpu.memory_space<hbm>> -> memref<80x4xf32, #tpu.memory_space<hbm>>
        tpu.wait_dma2 semaphore(%run_scoped3A : memref<!tpu.dma_semaphore, #tpu.memory_space<semaphore_mem>>) src(%dma_wait3A_494 : memref<80x4xf32, #tpu.memory_space<hbm>>) dst(%arg12 : memref<80x4xf32, #tpu.memory_space<vmem>>)
        tpu.yield
      }) : () -> ()
      "tpu.region"() ({
        %run_scoped3A = tpu.sem_alloc : memref<!tpu.dma_semaphore, #tpu.memory_space<semaphore_mem>>
        %dma_start3A = arith.constant 0 : i32
        %dma_start3A_489 = arith.constant 0 : i32
        %dma_start3A_490 = tpu.memref_slice %arg4[%dma_start3A, %dma_start3A_489] : memref<10000x128xf32, #tpu.memory_space<hbm>> -> memref<10000x128xf32, #tpu.memory_space<hbm>>
        tpu.enqueue_indirect_dma source(%dma_start3A_490 : memref<10000x128xf32, #tpu.memory_space<hbm>>) target(%arg15 : memref<80x128xf32, #tpu.memory_space<vmem>>) offsets(%arg10 : memref<80xi32, #tpu.memory_space<vmem>>) semaphore(%run_scoped3A : memref<!tpu.dma_semaphore, #tpu.memory_space<semaphore_mem>>)
        %dma_wait3A = arith.constant 0 : i32
        %dma_wait3A_491 = arith.constant 0 : i32
        %dma_wait3A_492 = tpu.memref_slice %arg4[%dma_wait3A, %dma_wait3A_491] : memref<10000x128xf32, #tpu.memory_space<hbm>> -> memref<10000x128xf32, #tpu.memory_space<hbm>>
        tpu.wait_indirect_dma semaphore(%run_scoped3A : memref<!tpu.dma_semaphore, #tpu.memory_space<semaphore_mem>>) src(%dma_wait3A_492 : memref<10000x128xf32, #tpu.memory_space<hbm>>) dst(%arg15 : memref<80x128xf32, #tpu.memory_space<vmem>>)
        tpu.yield
      }) : () -> ()
      "tpu.region"() ({
        %run_scoped3A = tpu.sem_alloc : memref<!tpu.dma_semaphore, #tpu.memory_space<semaphore_mem>>
        %dma_start3A = arith.constant 0 : i32
        %dma_start3A_489 = arith.constant 0 : i32
        %dma_start3A_490 = tpu.memref_slice %arg5[%dma_start3A, %dma_start3A_489] : memref<10000x8xf32, #tpu.memory_space<hbm>> -> memref<10000x8xf32, #tpu.memory_space<hbm>>
        tpu.enqueue_indirect_dma source(%dma_start3A_490 : memref<10000x8xf32, #tpu.memory_space<hbm>>) target(%arg13 : memref<80x8xf32, #tpu.memory_space<vmem>>) offsets(%arg11 : memref<80xi32, #tpu.memory_space<vmem>>) semaphore(%run_scoped3A : memref<!tpu.dma_semaphore, #tpu.memory_space<semaphore_mem>>)
        %dma_wait3A = arith.constant 0 : i32
        %dma_wait3A_491 = arith.constant 0 : i32
        %dma_wait3A_492 = tpu.memref_slice %arg5[%dma_wait3A, %dma_wait3A_491] : memref<10000x8xf32, #tpu.memory_space<hbm>> -> memref<10000x8xf32, #tpu.memory_space<hbm>>
        tpu.wait_indirect_dma semaphore(%run_scoped3A : memref<!tpu.dma_semaphore, #tpu.memory_space<semaphore_mem>>) src(%dma_wait3A_492 : memref<10000x8xf32, #tpu.memory_space<hbm>>) dst(%arg13 : memref<80x8xf32, #tpu.memory_space<vmem>>)
        tpu.yield
      }) : () -> ()
      "tpu.region"() ({
        %run_scoped3A = tpu.sem_alloc : memref<!tpu.dma_semaphore, #tpu.memory_space<semaphore_mem>>
        %dma_start3A = arith.constant 0 : i32
        %dma_start3A_489 = arith.constant 0 : i32
        %dma_start3A_490 = tpu.memref_slice %arg5[%dma_start3A, %dma_start3A_489] : memref<10000x8xf32, #tpu.memory_space<hbm>> -> memref<10000x8xf32, #tpu.memory_space<hbm>>
        tpu.enqueue_indirect_dma source(%dma_start3A_490 : memref<10000x8xf32, #tpu.memory_space<hbm>>) target(%arg14 : memref<80x8xf32, #tpu.memory_space<vmem>>) offsets(%arg10 : memref<80xi32, #tpu.memory_space<vmem>>) semaphore(%run_scoped3A : memref<!tpu.dma_semaphore, #tpu.memory_space<semaphore_mem>>)
        %dma_wait3A = arith.constant 0 : i32
        %dma_wait3A_491 = arith.constant 0 : i32
        %dma_wait3A_492 = tpu.memref_slice %arg5[%dma_wait3A, %dma_wait3A_491] : memref<10000x8xf32, #tpu.memory_space<hbm>> -> memref<10000x8xf32, #tpu.memory_space<hbm>>
        tpu.wait_indirect_dma semaphore(%run_scoped3A : memref<!tpu.dma_semaphore, #tpu.memory_space<semaphore_mem>>) src(%dma_wait3A_492 : memref<10000x8xf32, #tpu.memory_space<hbm>>) dst(%arg14 : memref<80x8xf32, #tpu.memory_space<vmem>>)
        tpu.yield
      }) : () -> ()
      %add3A_111 = arith.constant 0 : i32
      %add3A_112 = vector.broadcast %add3A_111 : i32 to vector<16xi32>
      %add3A_113 = arith.addi %iota3A, %add3A_112 : vector<16xi32>
      %broadcast_in_dim3A_114 = arith.constant 0 : i32
      %broadcast_in_dim3A_115 = vector.broadcast %broadcast_in_dim3A_114 : i32 to vector<16xi32>
      %gather3A = tpu.vector_load_idx %arg13[%add3A_113, %broadcast_in_dim3A_115] : memref<80x8xf32, #tpu.memory_space<vmem>>[vector<16xi32>, vector<16xi32>], vector<16xf32>,
      %broadcast_in_dim3A_116 = arith.constant 4 : i32
      %broadcast_in_dim3A_117 = vector.broadcast %broadcast_in_dim3A_116 : i32 to vector<16xi32>
      %gather3A_118 = tpu.vector_load_idx %arg14[%add3A_113, %broadcast_in_dim3A_117] : memref<80x8xf32, #tpu.memory_space<vmem>>[vector<16xi32>, vector<16xi32>], vector<16xf32>,
      %gather3A_119 = tpu.vector_load_idx %arg12[%add3A_113, %broadcast_in_dim3A_115] : memref<80x4xf32, #tpu.memory_space<vmem>>[vector<16xi32>, vector<16xi32>], vector<16xf32>,
      %add3A_120 = arith.addf %gather3A, %gather3A_118 : vector<16xf32>
      %add3A_121 = arith.addf %add3A_120, %gather3A_119 : vector<16xf32>
      %mul3A_122 = arith.constant 2.000000e-01 : f32
      %mul3A_123 = vector.broadcast %mul3A_122 : f32 to vector<16xf32>
      %mul3A_124 = arith.mulf %mul3A_123, %add3A_121 : vector<16xf32>
      %max3A_125 = arith.maximumf %add3A_121, %mul3A_124 : vector<16xf32>
      %sub3A_126 = arith.subf %max3A_125, %max3A : vector<16xf32>
      %exp3A = math.exp %sub3A_126 : vector<16xf32>
      %add3A_127 = arith.constant 128 : i32
      %add3A_128 = vector.broadcast %add3A_127 : i32 to vector<16xi32>
      %add3A_129 = arith.addi %broadcast_in_dim3A_115, %add3A_128 : vector<16xi32>
      tpu.vector_store_idx %arg16[%add3A_113, %add3A_129], %exp3A : memref<80x144xf32, #tpu.memory_space<vmem>>[vector<16xi32>, vector<16xi32>], vector<16xf32>,
      %broadcast_in_dim3A_130 = arith.constant 1 : i32
      %broadcast_in_dim3A_131 = vector.broadcast %broadcast_in_dim3A_130 : i32 to vector<16xi32>
      %gather3A_132 = tpu.vector_load_idx %arg13[%add3A_113, %broadcast_in_dim3A_131] : memref<80x8xf32, #tpu.memory_space<vmem>>[vector<16xi32>, vector<16xi32>], vector<16xf32>,
      %broadcast_in_dim3A_133 = arith.constant 5 : i32
      %broadcast_in_dim3A_134 = vector.broadcast %broadcast_in_dim3A_133 : i32 to vector<16xi32>
      %gather3A_135 = tpu.vector_load_idx %arg14[%add3A_113, %broadcast_in_dim3A_134] : memref<80x8xf32, #tpu.memory_space<vmem>>[vector<16xi32>, vector<16xi32>], vector<16xf32>,
      %gather3A_136 = tpu.vector_load_idx %arg12[%add3A_113, %broadcast_in_dim3A_131] : memref<80x4xf32, #tpu.memory_space<vmem>>[vector<16xi32>, vector<16xi32>], vector<16xf32>,
      %add3A_137 = arith.addf %gather3A_132, %gather3A_135 : vector<16xf32>
      %add3A_138 = arith.addf %add3A_137, %gather3A_136 : vector<16xf32>
      %mul3A_139 = arith.constant 2.000000e-01 : f32
      %mul3A_140 = vector.broadcast %mul3A_139 : f32 to vector<16xf32>
      %mul3A_141 = arith.mulf %mul3A_140, %add3A_138 : vector<16xf32>
      %max3A_142 = arith.maximumf %add3A_138, %mul3A_141 : vector<16xf32>
      %sub3A_143 = arith.subf %max3A_142, %max3A_38 : vector<16xf32>
      %exp3A_144 = math.exp %sub3A_143 : vector<16xf32>
      %add3A_145 = arith.constant 128 : i32
      %add3A_146 = vector.broadcast %add3A_145 : i32 to vector<16xi32>
      %add3A_147 = arith.addi %broadcast_in_dim3A_131, %add3A_146 : vector<16xi32>
      tpu.vector_store_idx %arg16[%add3A_113, %add3A_147], %exp3A_144 : memref<80x144xf32, #tpu.memory_space<vmem>>[vector<16xi32>, vector<16xi32>], vector<16xf32>,
      %broadcast_in_dim3A_148 = arith.constant 2 : i32
      %broadcast_in_dim3A_149 = vector.broadcast %broadcast_in_dim3A_148 : i32 to vector<16xi32>
      %gather3A_150 = tpu.vector_load_idx %arg13[%add3A_113, %broadcast_in_dim3A_149] : memref<80x8xf32, #tpu.memory_space<vmem>>[vector<16xi32>, vector<16xi32>], vector<16xf32>,
      %broadcast_in_dim3A_151 = arith.constant 6 : i32
      %broadcast_in_dim3A_152 = vector.broadcast %broadcast_in_dim3A_151 : i32 to vector<16xi32>
      %gather3A_153 = tpu.vector_load_idx %arg14[%add3A_113, %broadcast_in_dim3A_152] : memref<80x8xf32, #tpu.memory_space<vmem>>[vector<16xi32>, vector<16xi32>], vector<16xf32>,
      %gather3A_154 = tpu.vector_load_idx %arg12[%add3A_113, %broadcast_in_dim3A_149] : memref<80x4xf32, #tpu.memory_space<vmem>>[vector<16xi32>, vector<16xi32>], vector<16xf32>,
      %add3A_155 = arith.addf %gather3A_150, %gather3A_153 : vector<16xf32>
      %add3A_156 = arith.addf %add3A_155, %gather3A_154 : vector<16xf32>
      %mul3A_157 = arith.constant 2.000000e-01 : f32
      %mul3A_158 = vector.broadcast %mul3A_157 : f32 to vector<16xf32>
      %mul3A_159 = arith.mulf %mul3A_158, %add3A_156 : vector<16xf32>
      %max3A_160 = arith.maximumf %add3A_156, %mul3A_159 : vector<16xf32>
      %sub3A_161 = arith.subf %max3A_160, %max3A_56 : vector<16xf32>
      %exp3A_162 = math.exp %sub3A_161 : vector<16xf32>
      %add3A_163 = arith.constant 128 : i32
      %add3A_164 = vector.broadcast %add3A_163 : i32 to vector<16xi32>
      %add3A_165 = arith.addi %broadcast_in_dim3A_149, %add3A_164 : vector<16xi32>
      tpu.vector_store_idx %arg16[%add3A_113, %add3A_165], %exp3A_162 : memref<80x144xf32, #tpu.memory_space<vmem>>[vector<16xi32>, vector<16xi32>], vector<16xf32>,
      %broadcast_in_dim3A_166 = arith.constant 3 : i32
      %broadcast_in_dim3A_167 = vector.broadcast %broadcast_in_dim3A_166 : i32 to vector<16xi32>
      %gather3A_168 = tpu.vector_load_idx %arg13[%add3A_113, %broadcast_in_dim3A_167] : memref<80x8xf32, #tpu.memory_space<vmem>>[vector<16xi32>, vector<16xi32>], vector<16xf32>,
      %broadcast_in_dim3A_169 = arith.constant 7 : i32
      %broadcast_in_dim3A_170 = vector.broadcast %broadcast_in_dim3A_169 : i32 to vector<16xi32>
      %gather3A_171 = tpu.vector_load_idx %arg14[%add3A_113, %broadcast_in_dim3A_170] : memref<80x8xf32, #tpu.memory_space<vmem>>[vector<16xi32>, vector<16xi32>], vector<16xf32>,
      %gather3A_172 = tpu.vector_load_idx %arg12[%add3A_113, %broadcast_in_dim3A_167] : memref<80x4xf32, #tpu.memory_space<vmem>>[vector<16xi32>, vector<16xi32>], vector<16xf32>,
      %add3A_173 = arith.addf %gather3A_168, %gather3A_171 : vector<16xf32>
      %add3A_174 = arith.addf %add3A_173, %gather3A_172 : vector<16xf32>
      %mul3A_175 = arith.constant 2.000000e-01 : f32
      %mul3A_176 = vector.broadcast %mul3A_175 : f32 to vector<16xf32>
      %mul3A_177 = arith.mulf %mul3A_176, %add3A_174 : vector<16xf32>
      %max3A_178 = arith.maximumf %add3A_174, %mul3A_177 : vector<16xf32>
      %sub3A_179 = arith.subf %max3A_178, %max3A_74 : vector<16xf32>
      %exp3A_180 = math.exp %sub3A_179 : vector<16xf32>
      %add3A_181 = arith.constant 128 : i32
      %add3A_182 = vector.broadcast %add3A_181 : i32 to vector<16xi32>
      %add3A_183 = arith.addi %broadcast_in_dim3A_167, %add3A_182 : vector<16xi32>
      tpu.vector_store_idx %arg16[%add3A_113, %add3A_183], %exp3A_180 : memref<80x144xf32, #tpu.memory_space<vmem>>[vector<16xi32>, vector<16xi32>], vector<16xf32>,
      %add3A_184 = arith.constant 16 : i32
      %add3A_185 = vector.broadcast %add3A_184 : i32 to vector<16xi32>
      %add3A_186 = arith.addi %iota3A, %add3A_185 : vector<16xi32>
      %broadcast_in_dim3A_187 = arith.constant 0 : i32
      %broadcast_in_dim3A_188 = vector.broadcast %broadcast_in_dim3A_187 : i32 to vector<16xi32>
      %gather3A_189 = tpu.vector_load_idx %arg13[%add3A_186, %broadcast_in_dim3A_188] : memref<80x8xf32, #tpu.memory_space<vmem>>[vector<16xi32>, vector<16xi32>], vector<16xf32>,
      %broadcast_in_dim3A_190 = arith.constant 4 : i32
      %broadcast_in_dim3A_191 = vector.broadcast %broadcast_in_dim3A_190 : i32 to vector<16xi32>
      %gather3A_192 = tpu.vector_load_idx %arg14[%add3A_186, %broadcast_in_dim3A_191] : memref<80x8xf32, #tpu.memory_space<vmem>>[vector<16xi32>, vector<16xi32>], vector<16xf32>,
      %gather3A_193 = tpu.vector_load_idx %arg12[%add3A_186, %broadcast_in_dim3A_188] : memref<80x4xf32, #tpu.memory_space<vmem>>[vector<16xi32>, vector<16xi32>], vector<16xf32>,
      %add3A_194 = arith.addf %gather3A_189, %gather3A_192 : vector<16xf32>
      %add3A_195 = arith.addf %add3A_194, %gather3A_193 : vector<16xf32>
      %mul3A_196 = arith.constant 2.000000e-01 : f32
      %mul3A_197 = vector.broadcast %mul3A_196 : f32 to vector<16xf32>
      %mul3A_198 = arith.mulf %mul3A_197, %add3A_195 : vector<16xf32>
      %max3A_199 = arith.maximumf %add3A_195, %mul3A_198 : vector<16xf32>
      %sub3A_200 = arith.subf %max3A_199, %max3A : vector<16xf32>
      %exp3A_201 = math.exp %sub3A_200 : vector<16xf32>
      %add3A_202 = arith.constant 128 : i32
      %add3A_203 = vector.broadcast %add3A_202 : i32 to vector<16xi32>
      %add3A_204 = arith.addi %broadcast_in_dim3A_188, %add3A_203 : vector<16xi32>
      tpu.vector_store_idx %arg16[%add3A_186, %add3A_204], %exp3A_201 : memref<80x144xf32, #tpu.memory_space<vmem>>[vector<16xi32>, vector<16xi32>], vector<16xf32>,
      %broadcast_in_dim3A_205 = arith.constant 1 : i32
      %broadcast_in_dim3A_206 = vector.broadcast %broadcast_in_dim3A_205 : i32 to vector<16xi32>
      %gather3A_207 = tpu.vector_load_idx %arg13[%add3A_186, %broadcast_in_dim3A_206] : memref<80x8xf32, #tpu.memory_space<vmem>>[vector<16xi32>, vector<16xi32>], vector<16xf32>,
      %broadcast_in_dim3A_208 = arith.constant 5 : i32
      %broadcast_in_dim3A_209 = vector.broadcast %broadcast_in_dim3A_208 : i32 to vector<16xi32>
      %gather3A_210 = tpu.vector_load_idx %arg14[%add3A_186, %broadcast_in_dim3A_209] : memref<80x8xf32, #tpu.memory_space<vmem>>[vector<16xi32>, vector<16xi32>], vector<16xf32>,
      %gather3A_211 = tpu.vector_load_idx %arg12[%add3A_186, %broadcast_in_dim3A_206] : memref<80x4xf32, #tpu.memory_space<vmem>>[vector<16xi32>, vector<16xi32>], vector<16xf32>,
      %add3A_212 = arith.addf %gather3A_207, %gather3A_210 : vector<16xf32>
      %add3A_213 = arith.addf %add3A_212, %gather3A_211 : vector<16xf32>
      %mul3A_214 = arith.constant 2.000000e-01 : f32
      %mul3A_215 = vector.broadcast %mul3A_214 : f32 to vector<16xf32>
      %mul3A_216 = arith.mulf %mul3A_215, %add3A_213 : vector<16xf32>
      %max3A_217 = arith.maximumf %add3A_213, %mul3A_216 : vector<16xf32>
      %sub3A_218 = arith.subf %max3A_217, %max3A_38 : vector<16xf32>
      %exp3A_219 = math.exp %sub3A_218 : vector<16xf32>
      %add3A_220 = arith.constant 128 : i32
      %add3A_221 = vector.broadcast %add3A_220 : i32 to vector<16xi32>
      %add3A_222 = arith.addi %broadcast_in_dim3A_206, %add3A_221 : vector<16xi32>
      tpu.vector_store_idx %arg16[%add3A_186, %add3A_222], %exp3A_219 : memref<80x144xf32, #tpu.memory_space<vmem>>[vector<16xi32>, vector<16xi32>], vector<16xf32>,
      %broadcast_in_dim3A_223 = arith.constant 2 : i32
      %broadcast_in_dim3A_224 = vector.broadcast %broadcast_in_dim3A_223 : i32 to vector<16xi32>
      %gather3A_225 = tpu.vector_load_idx %arg13[%add3A_186, %broadcast_in_dim3A_224] : memref<80x8xf32, #tpu.memory_space<vmem>>[vector<16xi32>, vector<16xi32>], vector<16xf32>,
      %broadcast_in_dim3A_226 = arith.constant 6 : i32
      %broadcast_in_dim3A_227 = vector.broadcast %broadcast_in_dim3A_226 : i32 to vector<16xi32>
      %gather3A_228 = tpu.vector_load_idx %arg14[%add3A_186, %broadcast_in_dim3A_227] : memref<80x8xf32, #tpu.memory_space<vmem>>[vector<16xi32>, vector<16xi32>], vector<16xf32>,
      %gather3A_229 = tpu.vector_load_idx %arg12[%add3A_186, %broadcast_in_dim3A_224] : memref<80x4xf32, #tpu.memory_space<vmem>>[vector<16xi32>, vector<16xi32>], vector<16xf32>,
      %add3A_230 = arith.addf %gather3A_225, %gather3A_228 : vector<16xf32>
      %add3A_231 = arith.addf %add3A_230, %gather3A_229 : vector<16xf32>
      %mul3A_232 = arith.constant 2.000000e-01 : f32
      %mul3A_233 = vector.broadcast %mul3A_232 : f32 to vector<16xf32>
      %mul3A_234 = arith.mulf %mul3A_233, %add3A_231 : vector<16xf32>
      %max3A_235 = arith.maximumf %add3A_231, %mul3A_234 : vector<16xf32>
      %sub3A_236 = arith.subf %max3A_235, %max3A_56 : vector<16xf32>
      %exp3A_237 = math.exp %sub3A_236 : vector<16xf32>
      %add3A_238 = arith.constant 128 : i32
      %add3A_239 = vector.broadcast %add3A_238 : i32 to vector<16xi32>
      %add3A_240 = arith.addi %broadcast_in_dim3A_224, %add3A_239 : vector<16xi32>
      tpu.vector_store_idx %arg16[%add3A_186, %add3A_240], %exp3A_237 : memref<80x144xf32, #tpu.memory_space<vmem>>[vector<16xi32>, vector<16xi32>], vector<16xf32>,
      %broadcast_in_dim3A_241 = arith.constant 3 : i32
      %broadcast_in_dim3A_242 = vector.broadcast %broadcast_in_dim3A_241 : i32 to vector<16xi32>
      %gather3A_243 = tpu.vector_load_idx %arg13[%add3A_186, %broadcast_in_dim3A_242] : memref<80x8xf32, #tpu.memory_space<vmem>>[vector<16xi32>, vector<16xi32>], vector<16xf32>,
      %broadcast_in_dim3A_244 = arith.constant 7 : i32
      %broadcast_in_dim3A_245 = vector.broadcast %broadcast_in_dim3A_244 : i32 to vector<16xi32>
      %gather3A_246 = tpu.vector_load_idx %arg14[%add3A_186, %broadcast_in_dim3A_245] : memref<80x8xf32, #tpu.memory_space<vmem>>[vector<16xi32>, vector<16xi32>], vector<16xf32>,
      %gather3A_247 = tpu.vector_load_idx %arg12[%add3A_186, %broadcast_in_dim3A_242] : memref<80x4xf32, #tpu.memory_space<vmem>>[vector<16xi32>, vector<16xi32>], vector<16xf32>,
      %add3A_248 = arith.addf %gather3A_243, %gather3A_246 : vector<16xf32>
      %add3A_249 = arith.addf %add3A_248, %gather3A_247 : vector<16xf32>
      %mul3A_250 = arith.constant 2.000000e-01 : f32
      %mul3A_251 = vector.broadcast %mul3A_250 : f32 to vector<16xf32>
      %mul3A_252 = arith.mulf %mul3A_251, %add3A_249 : vector<16xf32>
      %max3A_253 = arith.maximumf %add3A_249, %mul3A_252 : vector<16xf32>
      %sub3A_254 = arith.subf %max3A_253, %max3A_74 : vector<16xf32>
      %exp3A_255 = math.exp %sub3A_254 : vector<16xf32>
      %add3A_256 = arith.constant 128 : i32
      %add3A_257 = vector.broadcast %add3A_256 : i32 to vector<16xi32>
      %add3A_258 = arith.addi %broadcast_in_dim3A_242, %add3A_257 : vector<16xi32>
      tpu.vector_store_idx %arg16[%add3A_186, %add3A_258], %exp3A_255 : memref<80x144xf32, #tpu.memory_space<vmem>>[vector<16xi32>, vector<16xi32>], vector<16xf32>,
      %add3A_259 = arith.constant 32 : i32
      %add3A_260 = vector.broadcast %add3A_259 : i32 to vector<16xi32>
      %add3A_261 = arith.addi %iota3A, %add3A_260 : vector<16xi32>
      %broadcast_in_dim3A_262 = arith.constant 0 : i32
      %broadcast_in_dim3A_263 = vector.broadcast %broadcast_in_dim3A_262 : i32 to vector<16xi32>
      %gather3A_264 = tpu.vector_load_idx %arg13[%add3A_261, %broadcast_in_dim3A_263] : memref<80x8xf32, #tpu.memory_space<vmem>>[vector<16xi32>, vector<16xi32>], vector<16xf32>,
      %broadcast_in_dim3A_265 = arith.constant 4 : i32
      %broadcast_in_dim3A_266 = vector.broadcast %broadcast_in_dim3A_265 : i32 to vector<16xi32>
      %gather3A_267 = tpu.vector_load_idx %arg14[%add3A_261, %broadcast_in_dim3A_266] : memref<80x8xf32, #tpu.memory_space<vmem>>[vector<16xi32>, vector<16xi32>], vector<16xf32>,
      %gather3A_268 = tpu.vector_load_idx %arg12[%add3A_261, %broadcast_in_dim3A_263] : memref<80x4xf32, #tpu.memory_space<vmem>>[vector<16xi32>, vector<16xi32>], vector<16xf32>,
      %add3A_269 = arith.addf %gather3A_264, %gather3A_267 : vector<16xf32>
      %add3A_270 = arith.addf %add3A_269, %gather3A_268 : vector<16xf32>
      %mul3A_271 = arith.constant 2.000000e-01 : f32
      %mul3A_272 = vector.broadcast %mul3A_271 : f32 to vector<16xf32>
      %mul3A_273 = arith.mulf %mul3A_272, %add3A_270 : vector<16xf32>
      %max3A_274 = arith.maximumf %add3A_270, %mul3A_273 : vector<16xf32>
      %sub3A_275 = arith.subf %max3A_274, %max3A : vector<16xf32>
      %exp3A_276 = math.exp %sub3A_275 : vector<16xf32>
      %add3A_277 = arith.constant 128 : i32
      %add3A_278 = vector.broadcast %add3A_277 : i32 to vector<16xi32>
      %add3A_279 = arith.addi %broadcast_in_dim3A_263, %add3A_278 : vector<16xi32>
      tpu.vector_store_idx %arg16[%add3A_261, %add3A_279], %exp3A_276 : memref<80x144xf32, #tpu.memory_space<vmem>>[vector<16xi32>, vector<16xi32>], vector<16xf32>,
      %broadcast_in_dim3A_280 = arith.constant 1 : i32
      %broadcast_in_dim3A_281 = vector.broadcast %broadcast_in_dim3A_280 : i32 to vector<16xi32>
      %gather3A_282 = tpu.vector_load_idx %arg13[%add3A_261, %broadcast_in_dim3A_281] : memref<80x8xf32, #tpu.memory_space<vmem>>[vector<16xi32>, vector<16xi32>], vector<16xf32>,
      %broadcast_in_dim3A_283 = arith.constant 5 : i32
      %broadcast_in_dim3A_284 = vector.broadcast %broadcast_in_dim3A_283 : i32 to vector<16xi32>
      %gather3A_285 = tpu.vector_load_idx %arg14[%add3A_261, %broadcast_in_dim3A_284] : memref<80x8xf32, #tpu.memory_space<vmem>>[vector<16xi32>, vector<16xi32>], vector<16xf32>,
      %gather3A_286 = tpu.vector_load_idx %arg12[%add3A_261, %broadcast_in_dim3A_281] : memref<80x4xf32, #tpu.memory_space<vmem>>[vector<16xi32>, vector<16xi32>], vector<16xf32>,
      %add3A_287 = arith.addf %gather3A_282, %gather3A_285 : vector<16xf32>
      %add3A_288 = arith.addf %add3A_287, %gather3A_286 : vector<16xf32>
      %mul3A_289 = arith.constant 2.000000e-01 : f32
      %mul3A_290 = vector.broadcast %mul3A_289 : f32 to vector<16xf32>
      %mul3A_291 = arith.mulf %mul3A_290, %add3A_288 : vector<16xf32>
      %max3A_292 = arith.maximumf %add3A_288, %mul3A_291 : vector<16xf32>
      %sub3A_293 = arith.subf %max3A_292, %max3A_38 : vector<16xf32>
      %exp3A_294 = math.exp %sub3A_293 : vector<16xf32>
      %add3A_295 = arith.constant 128 : i32
      %add3A_296 = vector.broadcast %add3A_295 : i32 to vector<16xi32>
      %add3A_297 = arith.addi %broadcast_in_dim3A_281, %add3A_296 : vector<16xi32>
      tpu.vector_store_idx %arg16[%add3A_261, %add3A_297], %exp3A_294 : memref<80x144xf32, #tpu.memory_space<vmem>>[vector<16xi32>, vector<16xi32>], vector<16xf32>,
      %broadcast_in_dim3A_298 = arith.constant 2 : i32
      %broadcast_in_dim3A_299 = vector.broadcast %broadcast_in_dim3A_298 : i32 to vector<16xi32>
      %gather3A_300 = tpu.vector_load_idx %arg13[%add3A_261, %broadcast_in_dim3A_299] : memref<80x8xf32, #tpu.memory_space<vmem>>[vector<16xi32>, vector<16xi32>], vector<16xf32>,
      %broadcast_in_dim3A_301 = arith.constant 6 : i32
      %broadcast_in_dim3A_302 = vector.broadcast %broadcast_in_dim3A_301 : i32 to vector<16xi32>
      %gather3A_303 = tpu.vector_load_idx %arg14[%add3A_261, %broadcast_in_dim3A_302] : memref<80x8xf32, #tpu.memory_space<vmem>>[vector<16xi32>, vector<16xi32>], vector<16xf32>,
      %gather3A_304 = tpu.vector_load_idx %arg12[%add3A_261, %broadcast_in_dim3A_299] : memref<80x4xf32, #tpu.memory_space<vmem>>[vector<16xi32>, vector<16xi32>], vector<16xf32>,
      %add3A_305 = arith.addf %gather3A_300, %gather3A_303 : vector<16xf32>
      %add3A_306 = arith.addf %add3A_305, %gather3A_304 : vector<16xf32>
      %mul3A_307 = arith.constant 2.000000e-01 : f32
      %mul3A_308 = vector.broadcast %mul3A_307 : f32 to vector<16xf32>
      %mul3A_309 = arith.mulf %mul3A_308, %add3A_306 : vector<16xf32>
      %max3A_310 = arith.maximumf %add3A_306, %mul3A_309 : vector<16xf32>
      %sub3A_311 = arith.subf %max3A_310, %max3A_56 : vector<16xf32>
      %exp3A_312 = math.exp %sub3A_311 : vector<16xf32>
      %add3A_313 = arith.constant 128 : i32
      %add3A_314 = vector.broadcast %add3A_313 : i32 to vector<16xi32>
      %add3A_315 = arith.addi %broadcast_in_dim3A_299, %add3A_314 : vector<16xi32>
      tpu.vector_store_idx %arg16[%add3A_261, %add3A_315], %exp3A_312 : memref<80x144xf32, #tpu.memory_space<vmem>>[vector<16xi32>, vector<16xi32>], vector<16xf32>,
      %broadcast_in_dim3A_316 = arith.constant 3 : i32
      %broadcast_in_dim3A_317 = vector.broadcast %broadcast_in_dim3A_316 : i32 to vector<16xi32>
      %gather3A_318 = tpu.vector_load_idx %arg13[%add3A_261, %broadcast_in_dim3A_317] : memref<80x8xf32, #tpu.memory_space<vmem>>[vector<16xi32>, vector<16xi32>], vector<16xf32>,
      %broadcast_in_dim3A_319 = arith.constant 7 : i32
      %broadcast_in_dim3A_320 = vector.broadcast %broadcast_in_dim3A_319 : i32 to vector<16xi32>
      %gather3A_321 = tpu.vector_load_idx %arg14[%add3A_261, %broadcast_in_dim3A_320] : memref<80x8xf32, #tpu.memory_space<vmem>>[vector<16xi32>, vector<16xi32>], vector<16xf32>,
      %gather3A_322 = tpu.vector_load_idx %arg12[%add3A_261, %broadcast_in_dim3A_317] : memref<80x4xf32, #tpu.memory_space<vmem>>[vector<16xi32>, vector<16xi32>], vector<16xf32>,
      %add3A_323 = arith.addf %gather3A_318, %gather3A_321 : vector<16xf32>
      %add3A_324 = arith.addf %add3A_323, %gather3A_322 : vector<16xf32>
      %mul3A_325 = arith.constant 2.000000e-01 : f32
      %mul3A_326 = vector.broadcast %mul3A_325 : f32 to vector<16xf32>
      %mul3A_327 = arith.mulf %mul3A_326, %add3A_324 : vector<16xf32>
      %max3A_328 = arith.maximumf %add3A_324, %mul3A_327 : vector<16xf32>
      %sub3A_329 = arith.subf %max3A_328, %max3A_74 : vector<16xf32>
      %exp3A_330 = math.exp %sub3A_329 : vector<16xf32>
      %add3A_331 = arith.constant 128 : i32
      %add3A_332 = vector.broadcast %add3A_331 : i32 to vector<16xi32>
      %add3A_333 = arith.addi %broadcast_in_dim3A_317, %add3A_332 : vector<16xi32>
      tpu.vector_store_idx %arg16[%add3A_261, %add3A_333], %exp3A_330 : memref<80x144xf32, #tpu.memory_space<vmem>>[vector<16xi32>, vector<16xi32>], vector<16xf32>,
      %add3A_334 = arith.constant 48 : i32
      %add3A_335 = vector.broadcast %add3A_334 : i32 to vector<16xi32>
      %add3A_336 = arith.addi %iota3A, %add3A_335 : vector<16xi32>
      %broadcast_in_dim3A_337 = arith.constant 0 : i32
      %broadcast_in_dim3A_338 = vector.broadcast %broadcast_in_dim3A_337 : i32 to vector<16xi32>
      %gather3A_339 = tpu.vector_load_idx %arg13[%add3A_336, %broadcast_in_dim3A_338] : memref<80x8xf32, #tpu.memory_space<vmem>>[vector<16xi32>, vector<16xi32>], vector<16xf32>,
      %broadcast_in_dim3A_340 = arith.constant 4 : i32
      %broadcast_in_dim3A_341 = vector.broadcast %broadcast_in_dim3A_340 : i32 to vector<16xi32>
      %gather3A_342 = tpu.vector_load_idx %arg14[%add3A_336, %broadcast_in_dim3A_341] : memref<80x8xf32, #tpu.memory_space<vmem>>[vector<16xi32>, vector<16xi32>], vector<16xf32>,
      %gather3A_343 = tpu.vector_load_idx %arg12[%add3A_336, %broadcast_in_dim3A_338] : memref<80x4xf32, #tpu.memory_space<vmem>>[vector<16xi32>, vector<16xi32>], vector<16xf32>,
      %add3A_344 = arith.addf %gather3A_339, %gather3A_342 : vector<16xf32>
      %add3A_345 = arith.addf %add3A_344, %gather3A_343 : vector<16xf32>
      %mul3A_346 = arith.constant 2.000000e-01 : f32
      %mul3A_347 = vector.broadcast %mul3A_346 : f32 to vector<16xf32>
      %mul3A_348 = arith.mulf %mul3A_347, %add3A_345 : vector<16xf32>
      %max3A_349 = arith.maximumf %add3A_345, %mul3A_348 : vector<16xf32>
      %sub3A_350 = arith.subf %max3A_349, %max3A : vector<16xf32>
      %exp3A_351 = math.exp %sub3A_350 : vector<16xf32>
      %add3A_352 = arith.constant 128 : i32
      %add3A_353 = vector.broadcast %add3A_352 : i32 to vector<16xi32>
      %add3A_354 = arith.addi %broadcast_in_dim3A_338, %add3A_353 : vector<16xi32>
      tpu.vector_store_idx %arg16[%add3A_336, %add3A_354], %exp3A_351 : memref<80x144xf32, #tpu.memory_space<vmem>>[vector<16xi32>, vector<16xi32>], vector<16xf32>,
      %broadcast_in_dim3A_355 = arith.constant 1 : i32
      %broadcast_in_dim3A_356 = vector.broadcast %broadcast_in_dim3A_355 : i32 to vector<16xi32>
      %gather3A_357 = tpu.vector_load_idx %arg13[%add3A_336, %broadcast_in_dim3A_356] : memref<80x8xf32, #tpu.memory_space<vmem>>[vector<16xi32>, vector<16xi32>], vector<16xf32>,
      %broadcast_in_dim3A_358 = arith.constant 5 : i32
      %broadcast_in_dim3A_359 = vector.broadcast %broadcast_in_dim3A_358 : i32 to vector<16xi32>
      %gather3A_360 = tpu.vector_load_idx %arg14[%add3A_336, %broadcast_in_dim3A_359] : memref<80x8xf32, #tpu.memory_space<vmem>>[vector<16xi32>, vector<16xi32>], vector<16xf32>,
      %gather3A_361 = tpu.vector_load_idx %arg12[%add3A_336, %broadcast_in_dim3A_356] : memref<80x4xf32, #tpu.memory_space<vmem>>[vector<16xi32>, vector<16xi32>], vector<16xf32>,
      %add3A_362 = arith.addf %gather3A_357, %gather3A_360 : vector<16xf32>
      %add3A_363 = arith.addf %add3A_362, %gather3A_361 : vector<16xf32>
      %mul3A_364 = arith.constant 2.000000e-01 : f32
      %mul3A_365 = vector.broadcast %mul3A_364 : f32 to vector<16xf32>
      %mul3A_366 = arith.mulf %mul3A_365, %add3A_363 : vector<16xf32>
      %max3A_367 = arith.maximumf %add3A_363, %mul3A_366 : vector<16xf32>
      %sub3A_368 = arith.subf %max3A_367, %max3A_38 : vector<16xf32>
      %exp3A_369 = math.exp %sub3A_368 : vector<16xf32>
      %add3A_370 = arith.constant 128 : i32
      %add3A_371 = vector.broadcast %add3A_370 : i32 to vector<16xi32>
      %add3A_372 = arith.addi %broadcast_in_dim3A_356, %add3A_371 : vector<16xi32>
      tpu.vector_store_idx %arg16[%add3A_336, %add3A_372], %exp3A_369 : memref<80x144xf32, #tpu.memory_space<vmem>>[vector<16xi32>, vector<16xi32>], vector<16xf32>,
      %broadcast_in_dim3A_373 = arith.constant 2 : i32
      %broadcast_in_dim3A_374 = vector.broadcast %broadcast_in_dim3A_373 : i32 to vector<16xi32>
      %gather3A_375 = tpu.vector_load_idx %arg13[%add3A_336, %broadcast_in_dim3A_374] : memref<80x8xf32, #tpu.memory_space<vmem>>[vector<16xi32>, vector<16xi32>], vector<16xf32>,
      %broadcast_in_dim3A_376 = arith.constant 6 : i32
      %broadcast_in_dim3A_377 = vector.broadcast %broadcast_in_dim3A_376 : i32 to vector<16xi32>
      %gather3A_378 = tpu.vector_load_idx %arg14[%add3A_336, %broadcast_in_dim3A_377] : memref<80x8xf32, #tpu.memory_space<vmem>>[vector<16xi32>, vector<16xi32>], vector<16xf32>,
      %gather3A_379 = tpu.vector_load_idx %arg12[%add3A_336, %broadcast_in_dim3A_374] : memref<80x4xf32, #tpu.memory_space<vmem>>[vector<16xi32>, vector<16xi32>], vector<16xf32>,
      %add3A_380 = arith.addf %gather3A_375, %gather3A_378 : vector<16xf32>
      %add3A_381 = arith.addf %add3A_380, %gather3A_379 : vector<16xf32>
      %mul3A_382 = arith.constant 2.000000e-01 : f32
      %mul3A_383 = vector.broadcast %mul3A_382 : f32 to vector<16xf32>
      %mul3A_384 = arith.mulf %mul3A_383, %add3A_381 : vector<16xf32>
      %max3A_385 = arith.maximumf %add3A_381, %mul3A_384 : vector<16xf32>
      %sub3A_386 = arith.subf %max3A_385, %max3A_56 : vector<16xf32>
      %exp3A_387 = math.exp %sub3A_386 : vector<16xf32>
      %add3A_388 = arith.constant 128 : i32
      %add3A_389 = vector.broadcast %add3A_388 : i32 to vector<16xi32>
      %add3A_390 = arith.addi %broadcast_in_dim3A_374, %add3A_389 : vector<16xi32>
      tpu.vector_store_idx %arg16[%add3A_336, %add3A_390], %exp3A_387 : memref<80x144xf32, #tpu.memory_space<vmem>>[vector<16xi32>, vector<16xi32>], vector<16xf32>,
      %broadcast_in_dim3A_391 = arith.constant 3 : i32
      %broadcast_in_dim3A_392 = vector.broadcast %broadcast_in_dim3A_391 : i32 to vector<16xi32>
      %gather3A_393 = tpu.vector_load_idx %arg13[%add3A_336, %broadcast_in_dim3A_392] : memref<80x8xf32, #tpu.memory_space<vmem>>[vector<16xi32>, vector<16xi32>], vector<16xf32>,
      %broadcast_in_dim3A_394 = arith.constant 7 : i32
      %broadcast_in_dim3A_395 = vector.broadcast %broadcast_in_dim3A_394 : i32 to vector<16xi32>
      %gather3A_396 = tpu.vector_load_idx %arg14[%add3A_336, %broadcast_in_dim3A_395] : memref<80x8xf32, #tpu.memory_space<vmem>>[vector<16xi32>, vector<16xi32>], vector<16xf32>,
      %gather3A_397 = tpu.vector_load_idx %arg12[%add3A_336, %broadcast_in_dim3A_392] : memref<80x4xf32, #tpu.memory_space<vmem>>[vector<16xi32>, vector<16xi32>], vector<16xf32>,
      %add3A_398 = arith.addf %gather3A_393, %gather3A_396 : vector<16xf32>
      %add3A_399 = arith.addf %add3A_398, %gather3A_397 : vector<16xf32>
      %mul3A_400 = arith.constant 2.000000e-01 : f32
      %mul3A_401 = vector.broadcast %mul3A_400 : f32 to vector<16xf32>
      %mul3A_402 = arith.mulf %mul3A_401, %add3A_399 : vector<16xf32>
      %max3A_403 = arith.maximumf %add3A_399, %mul3A_402 : vector<16xf32>
      %sub3A_404 = arith.subf %max3A_403, %max3A_74 : vector<16xf32>
      %exp3A_405 = math.exp %sub3A_404 : vector<16xf32>
      %add3A_406 = arith.constant 128 : i32
      %add3A_407 = vector.broadcast %add3A_406 : i32 to vector<16xi32>
      %add3A_408 = arith.addi %broadcast_in_dim3A_392, %add3A_407 : vector<16xi32>
      tpu.vector_store_idx %arg16[%add3A_336, %add3A_408], %exp3A_405 : memref<80x144xf32, #tpu.memory_space<vmem>>[vector<16xi32>, vector<16xi32>], vector<16xf32>,
      %add3A_409 = arith.constant 64 : i32
      %add3A_410 = vector.broadcast %add3A_409 : i32 to vector<16xi32>
      %add3A_411 = arith.addi %iota3A, %add3A_410 : vector<16xi32>
      %broadcast_in_dim3A_412 = arith.constant 0 : i32
      %broadcast_in_dim3A_413 = vector.broadcast %broadcast_in_dim3A_412 : i32 to vector<16xi32>
      %gather3A_414 = tpu.vector_load_idx %arg13[%add3A_411, %broadcast_in_dim3A_413] : memref<80x8xf32, #tpu.memory_space<vmem>>[vector<16xi32>, vector<16xi32>], vector<16xf32>,
      %broadcast_in_dim3A_415 = arith.constant 4 : i32
      %broadcast_in_dim3A_416 = vector.broadcast %broadcast_in_dim3A_415 : i32 to vector<16xi32>
      %gather3A_417 = tpu.vector_load_idx %arg14[%add3A_411, %broadcast_in_dim3A_416] : memref<80x8xf32, #tpu.memory_space<vmem>>[vector<16xi32>, vector<16xi32>], vector<16xf32>,
      %gather3A_418 = tpu.vector_load_idx %arg12[%add3A_411, %broadcast_in_dim3A_413] : memref<80x4xf32, #tpu.memory_space<vmem>>[vector<16xi32>, vector<16xi32>], vector<16xf32>,
      %add3A_419 = arith.addf %gather3A_414, %gather3A_417 : vector<16xf32>
      %add3A_420 = arith.addf %add3A_419, %gather3A_418 : vector<16xf32>
      %mul3A_421 = arith.constant 2.000000e-01 : f32
      %mul3A_422 = vector.broadcast %mul3A_421 : f32 to vector<16xf32>
      %mul3A_423 = arith.mulf %mul3A_422, %add3A_420 : vector<16xf32>
      %max3A_424 = arith.maximumf %add3A_420, %mul3A_423 : vector<16xf32>
      %sub3A_425 = arith.subf %max3A_424, %max3A : vector<16xf32>
      %exp3A_426 = math.exp %sub3A_425 : vector<16xf32>
      %add3A_427 = arith.constant 128 : i32
      %add3A_428 = vector.broadcast %add3A_427 : i32 to vector<16xi32>
      %add3A_429 = arith.addi %broadcast_in_dim3A_413, %add3A_428 : vector<16xi32>
      tpu.vector_store_idx %arg16[%add3A_411, %add3A_429], %exp3A_426 : memref<80x144xf32, #tpu.memory_space<vmem>>[vector<16xi32>, vector<16xi32>], vector<16xf32>,
      %broadcast_in_dim3A_430 = arith.constant 1 : i32
      %broadcast_in_dim3A_431 = vector.broadcast %broadcast_in_dim3A_430 : i32 to vector<16xi32>
      %gather3A_432 = tpu.vector_load_idx %arg13[%add3A_411, %broadcast_in_dim3A_431] : memref<80x8xf32, #tpu.memory_space<vmem>>[vector<16xi32>, vector<16xi32>], vector<16xf32>,
      %broadcast_in_dim3A_433 = arith.constant 5 : i32
      %broadcast_in_dim3A_434 = vector.broadcast %broadcast_in_dim3A_433 : i32 to vector<16xi32>
      %gather3A_435 = tpu.vector_load_idx %arg14[%add3A_411, %broadcast_in_dim3A_434] : memref<80x8xf32, #tpu.memory_space<vmem>>[vector<16xi32>, vector<16xi32>], vector<16xf32>,
      %gather3A_436 = tpu.vector_load_idx %arg12[%add3A_411, %broadcast_in_dim3A_431] : memref<80x4xf32, #tpu.memory_space<vmem>>[vector<16xi32>, vector<16xi32>], vector<16xf32>,
      %add3A_437 = arith.addf %gather3A_432, %gather3A_435 : vector<16xf32>
      %add3A_438 = arith.addf %add3A_437, %gather3A_436 : vector<16xf32>
      %mul3A_439 = arith.constant 2.000000e-01 : f32
      %mul3A_440 = vector.broadcast %mul3A_439 : f32 to vector<16xf32>
      %mul3A_441 = arith.mulf %mul3A_440, %add3A_438 : vector<16xf32>
      %max3A_442 = arith.maximumf %add3A_438, %mul3A_441 : vector<16xf32>
      %sub3A_443 = arith.subf %max3A_442, %max3A_38 : vector<16xf32>
      %exp3A_444 = math.exp %sub3A_443 : vector<16xf32>
      %add3A_445 = arith.constant 128 : i32
      %add3A_446 = vector.broadcast %add3A_445 : i32 to vector<16xi32>
      %add3A_447 = arith.addi %broadcast_in_dim3A_431, %add3A_446 : vector<16xi32>
      tpu.vector_store_idx %arg16[%add3A_411, %add3A_447], %exp3A_444 : memref<80x144xf32, #tpu.memory_space<vmem>>[vector<16xi32>, vector<16xi32>], vector<16xf32>,
      %broadcast_in_dim3A_448 = arith.constant 2 : i32
      %broadcast_in_dim3A_449 = vector.broadcast %broadcast_in_dim3A_448 : i32 to vector<16xi32>
      %gather3A_450 = tpu.vector_load_idx %arg13[%add3A_411, %broadcast_in_dim3A_449] : memref<80x8xf32, #tpu.memory_space<vmem>>[vector<16xi32>, vector<16xi32>], vector<16xf32>,
      %broadcast_in_dim3A_451 = arith.constant 6 : i32
      %broadcast_in_dim3A_452 = vector.broadcast %broadcast_in_dim3A_451 : i32 to vector<16xi32>
      %gather3A_453 = tpu.vector_load_idx %arg14[%add3A_411, %broadcast_in_dim3A_452] : memref<80x8xf32, #tpu.memory_space<vmem>>[vector<16xi32>, vector<16xi32>], vector<16xf32>,
      %gather3A_454 = tpu.vector_load_idx %arg12[%add3A_411, %broadcast_in_dim3A_449] : memref<80x4xf32, #tpu.memory_space<vmem>>[vector<16xi32>, vector<16xi32>], vector<16xf32>,
      %add3A_455 = arith.addf %gather3A_450, %gather3A_453 : vector<16xf32>
      %add3A_456 = arith.addf %add3A_455, %gather3A_454 : vector<16xf32>
      %mul3A_457 = arith.constant 2.000000e-01 : f32
      %mul3A_458 = vector.broadcast %mul3A_457 : f32 to vector<16xf32>
      %mul3A_459 = arith.mulf %mul3A_458, %add3A_456 : vector<16xf32>
      %max3A_460 = arith.maximumf %add3A_456, %mul3A_459 : vector<16xf32>
      %sub3A_461 = arith.subf %max3A_460, %max3A_56 : vector<16xf32>
      %exp3A_462 = math.exp %sub3A_461 : vector<16xf32>
      %add3A_463 = arith.constant 128 : i32
      %add3A_464 = vector.broadcast %add3A_463 : i32 to vector<16xi32>
      %add3A_465 = arith.addi %broadcast_in_dim3A_449, %add3A_464 : vector<16xi32>
      tpu.vector_store_idx %arg16[%add3A_411, %add3A_465], %exp3A_462 : memref<80x144xf32, #tpu.memory_space<vmem>>[vector<16xi32>, vector<16xi32>], vector<16xf32>,
      %broadcast_in_dim3A_466 = arith.constant 3 : i32
      %broadcast_in_dim3A_467 = vector.broadcast %broadcast_in_dim3A_466 : i32 to vector<16xi32>
      %gather3A_468 = tpu.vector_load_idx %arg13[%add3A_411, %broadcast_in_dim3A_467] : memref<80x8xf32, #tpu.memory_space<vmem>>[vector<16xi32>, vector<16xi32>], vector<16xf32>,
      %broadcast_in_dim3A_469 = arith.constant 7 : i32
      %broadcast_in_dim3A_470 = vector.broadcast %broadcast_in_dim3A_469 : i32 to vector<16xi32>
      %gather3A_471 = tpu.vector_load_idx %arg14[%add3A_411, %broadcast_in_dim3A_470] : memref<80x8xf32, #tpu.memory_space<vmem>>[vector<16xi32>, vector<16xi32>], vector<16xf32>,
      %gather3A_472 = tpu.vector_load_idx %arg12[%add3A_411, %broadcast_in_dim3A_467] : memref<80x4xf32, #tpu.memory_space<vmem>>[vector<16xi32>, vector<16xi32>], vector<16xf32>,
      %add3A_473 = arith.addf %gather3A_468, %gather3A_471 : vector<16xf32>
      %add3A_474 = arith.addf %add3A_473, %gather3A_472 : vector<16xf32>
      %mul3A_475 = arith.constant 2.000000e-01 : f32
      %mul3A_476 = vector.broadcast %mul3A_475 : f32 to vector<16xf32>
      %mul3A_477 = arith.mulf %mul3A_476, %add3A_474 : vector<16xf32>
      %max3A_478 = arith.maximumf %add3A_474, %mul3A_477 : vector<16xf32>
      %sub3A_479 = arith.subf %max3A_478, %max3A_74 : vector<16xf32>
      %exp3A_480 = math.exp %sub3A_479 : vector<16xf32>
      %add3A_481 = arith.constant 128 : i32
      %add3A_482 = vector.broadcast %add3A_481 : i32 to vector<16xi32>
      %add3A_483 = arith.addi %broadcast_in_dim3A_467, %add3A_482 : vector<16xi32>
      tpu.vector_store_idx %arg16[%add3A_411, %add3A_483], %exp3A_480 : memref<80x144xf32, #tpu.memory_space<vmem>>[vector<16xi32>, vector<16xi32>], vector<16xf32>,
      %scan3A_484 = arith.constant 0 : i32
      %scan3A_485 = arith.constant 80 : i32
      %scan3A_486 = arith.addi %scan3A_484, %scan3A_485 : i32
      %scan3A_487 = arith.constant 1 : i32
      scf.for %scan3A_489 = %scan3A_484 to %scan3A_486 step %scan3A_487  : i32 {
        %mul3A_490 = arith.constant 1 : i32
        %mul3A_491 = arith.muli %scan3A_489, %mul3A_490 : i32
        %add3A_492 = arith.constant 0 : i32
        %add3A_493 = arith.addi %add3A_492, %mul3A_491 : i32
        %get3A_494 = arith.index_cast %add3A_493 : i32 to index
        %get3A_495 = arith.constant 128 : index
        %get3A_496 = tpu.vector_load %arg16[%get3A_494, %get3A_495] {strides = array<i32>} : memref<80x144xf32, #tpu.memory_space<vmem>>, vector<16xf32>,
        %slice3A = vector.extract_strided_slice %get3A_496 {offsets = [0], sizes = [1], strides = [1]} : vector<16xf32> to vector<1xf32>
        %squeeze3A = vector.extract %slice3A[0] : f32 from vector<1xf32>
        %get3A_497 = arith.index_cast %add3A_493 : i32 to index
        %get3A_498 = arith.constant 0 : index
        %get3A_499 = tpu.vector_load %arg15[%get3A_497, %get3A_498] {strides = array<i32>} : memref<80x128xf32, #tpu.memory_space<vmem>>, vector<16xf32>,
        %mul3A_500 = vector.broadcast %squeeze3A : f32 to vector<16xf32>
        %mul3A_501 = arith.mulf %get3A_499, %mul3A_500 : vector<16xf32>
        %swap3A = arith.index_cast %add3A_493 : i32 to index
        %swap3A_502 = arith.constant 0 : index
        %swap3A_503 = tpu.vector_load %arg16[%swap3A, %swap3A_502] {strides = array<i32>} : memref<80x144xf32, #tpu.memory_space<vmem>>, vector<16xf32>,
        tpu.vector_store %arg16[%swap3A, %swap3A_502], %mul3A_501 {strides = array<i32>} : memref<80x144xf32, #tpu.memory_space<vmem>>, vector<16xf32>,
        %get3A_504 = arith.index_cast %add3A_493 : i32 to index
        %get3A_505 = arith.constant 16 : index
        %get3A_506 = tpu.vector_load %arg15[%get3A_504, %get3A_505] {strides = array<i32>} : memref<80x128xf32, #tpu.memory_space<vmem>>, vector<16xf32>,
        %mul3A_507 = vector.broadcast %squeeze3A : f32 to vector<16xf32>
        %mul3A_508 = arith.mulf %get3A_506, %mul3A_507 : vector<16xf32>
        %swap3A_509 = arith.index_cast %add3A_493 : i32 to index
        %swap3A_510 = arith.constant 16 : index
        %swap3A_511 = tpu.vector_load %arg16[%swap3A_509, %swap3A_510] {strides = array<i32>} : memref<80x144xf32, #tpu.memory_space<vmem>>, vector<16xf32>,
        tpu.vector_store %arg16[%swap3A_509, %swap3A_510], %mul3A_508 {strides = array<i32>} : memref<80x144xf32, #tpu.memory_space<vmem>>, vector<16xf32>,
        %slice3A_512 = vector.extract_strided_slice %get3A_496 {offsets = [1], sizes = [1], strides = [1]} : vector<16xf32> to vector<1xf32>
        %squeeze3A_513 = vector.extract %slice3A_512[0] : f32 from vector<1xf32>
        %get3A_514 = arith.index_cast %add3A_493 : i32 to index
        %get3A_515 = arith.constant 32 : index
        %get3A_516 = tpu.vector_load %arg15[%get3A_514, %get3A_515] {strides = array<i32>} : memref<80x128xf32, #tpu.memory_space<vmem>>, vector<16xf32>,
        %mul3A_517 = vector.broadcast %squeeze3A_513 : f32 to vector<16xf32>
        %mul3A_518 = arith.mulf %get3A_516, %mul3A_517 : vector<16xf32>
        %swap3A_519 = arith.index_cast %add3A_493 : i32 to index
        %swap3A_520 = arith.constant 32 : index
        %swap3A_521 = tpu.vector_load %arg16[%swap3A_519, %swap3A_520] {strides = array<i32>} : memref<80x144xf32, #tpu.memory_space<vmem>>, vector<16xf32>,
        tpu.vector_store %arg16[%swap3A_519, %swap3A_520], %mul3A_518 {strides = array<i32>} : memref<80x144xf32, #tpu.memory_space<vmem>>, vector<16xf32>,
        %get3A_522 = arith.index_cast %add3A_493 : i32 to index
        %get3A_523 = arith.constant 48 : index
        %get3A_524 = tpu.vector_load %arg15[%get3A_522, %get3A_523] {strides = array<i32>} : memref<80x128xf32, #tpu.memory_space<vmem>>, vector<16xf32>,
        %mul3A_525 = vector.broadcast %squeeze3A_513 : f32 to vector<16xf32>
        %mul3A_526 = arith.mulf %get3A_524, %mul3A_525 : vector<16xf32>
        %swap3A_527 = arith.index_cast %add3A_493 : i32 to index
        %swap3A_528 = arith.constant 48 : index
        %swap3A_529 = tpu.vector_load %arg16[%swap3A_527, %swap3A_528] {strides = array<i32>} : memref<80x144xf32, #tpu.memory_space<vmem>>, vector<16xf32>,
        tpu.vector_store %arg16[%swap3A_527, %swap3A_528], %mul3A_526 {strides = array<i32>} : memref<80x144xf32, #tpu.memory_space<vmem>>, vector<16xf32>,
        %slice3A_530 = vector.extract_strided_slice %get3A_496 {offsets = [2], sizes = [1], strides = [1]} : vector<16xf32> to vector<1xf32>
        %squeeze3A_531 = vector.extract %slice3A_530[0] : f32 from vector<1xf32>
        %get3A_532 = arith.index_cast %add3A_493 : i32 to index
        %get3A_533 = arith.constant 64 : index
        %get3A_534 = tpu.vector_load %arg15[%get3A_532, %get3A_533] {strides = array<i32>} : memref<80x128xf32, #tpu.memory_space<vmem>>, vector<16xf32>,
        %mul3A_535 = vector.broadcast %squeeze3A_531 : f32 to vector<16xf32>
        %mul3A_536 = arith.mulf %get3A_534, %mul3A_535 : vector<16xf32>
        %swap3A_537 = arith.index_cast %add3A_493 : i32 to index
        %swap3A_538 = arith.constant 64 : index
        %swap3A_539 = tpu.vector_load %arg16[%swap3A_537, %swap3A_538] {strides = array<i32>} : memref<80x144xf32, #tpu.memory_space<vmem>>, vector<16xf32>,
        tpu.vector_store %arg16[%swap3A_537, %swap3A_538], %mul3A_536 {strides = array<i32>} : memref<80x144xf32, #tpu.memory_space<vmem>>, vector<16xf32>,
        %get3A_540 = arith.index_cast %add3A_493 : i32 to index
        %get3A_541 = arith.constant 80 : index
        %get3A_542 = tpu.vector_load %arg15[%get3A_540, %get3A_541] {strides = array<i32>} : memref<80x128xf32, #tpu.memory_space<vmem>>, vector<16xf32>,
        %mul3A_543 = vector.broadcast %squeeze3A_531 : f32 to vector<16xf32>
        %mul3A_544 = arith.mulf %get3A_542, %mul3A_543 : vector<16xf32>
        %swap3A_545 = arith.index_cast %add3A_493 : i32 to index
        %swap3A_546 = arith.constant 80 : index
        %swap3A_547 = tpu.vector_load %arg16[%swap3A_545, %swap3A_546] {strides = array<i32>} : memref<80x144xf32, #tpu.memory_space<vmem>>, vector<16xf32>,
        tpu.vector_store %arg16[%swap3A_545, %swap3A_546], %mul3A_544 {strides = array<i32>} : memref<80x144xf32, #tpu.memory_space<vmem>>, vector<16xf32>,
        %slice3A_548 = vector.extract_strided_slice %get3A_496 {offsets = [3], sizes = [1], strides = [1]} : vector<16xf32> to vector<1xf32>
        %squeeze3A_549 = vector.extract %slice3A_548[0] : f32 from vector<1xf32>
        %get3A_550 = arith.index_cast %add3A_493 : i32 to index
        %get3A_551 = arith.constant 96 : index
        %get3A_552 = tpu.vector_load %arg15[%get3A_550, %get3A_551] {strides = array<i32>} : memref<80x128xf32, #tpu.memory_space<vmem>>, vector<16xf32>,
        %mul3A_553 = vector.broadcast %squeeze3A_549 : f32 to vector<16xf32>
        %mul3A_554 = arith.mulf %get3A_552, %mul3A_553 : vector<16xf32>
        %swap3A_555 = arith.index_cast %add3A_493 : i32 to index
        %swap3A_556 = arith.constant 96 : index
        %swap3A_557 = tpu.vector_load %arg16[%swap3A_555, %swap3A_556] {strides = array<i32>} : memref<80x144xf32, #tpu.memory_space<vmem>>, vector<16xf32>,
        tpu.vector_store %arg16[%swap3A_555, %swap3A_556], %mul3A_554 {strides = array<i32>} : memref<80x144xf32, #tpu.memory_space<vmem>>, vector<16xf32>,
        %get3A_558 = arith.index_cast %add3A_493 : i32 to index
        %get3A_559 = arith.constant 112 : index
        %get3A_560 = tpu.vector_load %arg15[%get3A_558, %get3A_559] {strides = array<i32>} : memref<80x128xf32, #tpu.memory_space<vmem>>, vector<16xf32>,
        %mul3A_561 = vector.broadcast %squeeze3A_549 : f32 to vector<16xf32>
        %mul3A_562 = arith.mulf %get3A_560, %mul3A_561 : vector<16xf32>
        %swap3A_563 = arith.index_cast %add3A_493 : i32 to index
        %swap3A_564 = arith.constant 112 : index
        %swap3A_565 = tpu.vector_load %arg16[%swap3A_563, %swap3A_564] {strides = array<i32>} : memref<80x144xf32, #tpu.memory_space<vmem>>, vector<16xf32>,
        tpu.vector_store %arg16[%swap3A_563, %swap3A_564], %mul3A_562 {strides = array<i32>} : memref<80x144xf32, #tpu.memory_space<vmem>>, vector<16xf32>,
      }
      %scan3A_488 = arith.constant 80 : i32
      "tpu.region"() ({
        %run_scoped3A = tpu.sem_alloc : memref<!tpu.dma_semaphore, #tpu.memory_space<semaphore_mem>>
        %dma_start3A = arith.constant 0 : i32
        %dma_start3A_489 = arith.constant 0 : i32
        %dma_start3A_490 = tpu.memref_slice %arg19[%dma_start3A, %dma_start3A_489] : memref<10000x144xf32, #tpu.memory_space<vmem_shared>> -> memref<10000x144xf32, #tpu.memory_space<vmem_shared>>
        tpu.enqueue_indirect_dma source(%arg16 : memref<80x144xf32, #tpu.memory_space<vmem>>) target(%dma_start3A_490 : memref<10000x144xf32, #tpu.memory_space<vmem_shared>>) offsets(%arg11 : memref<80xi32, #tpu.memory_space<vmem>>) semaphore(%run_scoped3A : memref<!tpu.dma_semaphore, #tpu.memory_space<semaphore_mem>>) {add = true}
        %dma_wait3A = arith.constant 0 : i32
        %dma_wait3A_491 = arith.constant 0 : i32
        %dma_wait3A_492 = tpu.memref_slice %arg19[%dma_wait3A, %dma_wait3A_491] : memref<10000x144xf32, #tpu.memory_space<vmem_shared>> -> memref<10000x144xf32, #tpu.memory_space<vmem_shared>>
        tpu.wait_indirect_dma semaphore(%run_scoped3A : memref<!tpu.dma_semaphore, #tpu.memory_space<semaphore_mem>>) src(%arg16 : memref<80x144xf32, #tpu.memory_space<vmem>>) dst(%dma_wait3A_492 : memref<10000x144xf32, #tpu.memory_space<vmem_shared>>)
        tpu.yield
      }) : () -> ()
    }
    %scan3A_101 = arith.constant 125 : i32
    %barrier3A_102 = arith.constant 0 : index
    tpu.barrier barrier_id(%barrier3A_102)
    "tpu.region"() ({
      %run_scoped3A = tpu.sem_alloc : memref<!tpu.dma_semaphore, #tpu.memory_space<semaphore_mem>>
      %dma_start3A = arith.constant 0 : i32
      %dma_start3A_103 = tpu.memref_slice %arg9[%arg0, %mul3A_4, %dma_start3A] : memref<2x10000x144xf32, #tpu.memory_space<hbm>> -> memref<1x625x144xf32, #tpu.memory_space<hbm>>
      %dma_start3A_104 = tpu.memref_squeeze %dma_start3A_103 : memref<1x625x144xf32, #tpu.memory_space<hbm>> -> memref<625x144xf32, #tpu.memory_space<hbm>>
      %dma_start3A_105 = arith.constant 0 : i32
      %dma_start3A_106 = tpu.memref_slice %arg19[%mul3A_4, %dma_start3A_105] : memref<10000x144xf32, #tpu.memory_space<vmem_shared>> -> memref<625x144xf32, #tpu.memory_space<vmem_shared>>
      tpu.enqueue_dma source(%dma_start3A_106 : memref<625x144xf32, #tpu.memory_space<vmem_shared>>) target(%dma_start3A_104 : memref<625x144xf32, #tpu.memory_space<hbm>>) target_semaphore(%run_scoped3A : memref<!tpu.dma_semaphore, #tpu.memory_space<semaphore_mem>>)
      %dma_wait3A = arith.constant 0 : i32
      %dma_wait3A_107 = tpu.memref_slice %arg9[%arg0, %mul3A_4, %dma_wait3A] : memref<2x10000x144xf32, #tpu.memory_space<hbm>> -> memref<1x625x144xf32, #tpu.memory_space<hbm>>
      %dma_wait3A_108 = tpu.memref_squeeze %dma_wait3A_107 : memref<1x625x144xf32, #tpu.memory_space<hbm>> -> memref<625x144xf32, #tpu.memory_space<hbm>>
      %dma_wait3A_109 = arith.constant 0 : i32
      %dma_wait3A_110 = tpu.memref_slice %arg19[%mul3A_4, %dma_wait3A_109] : memref<10000x144xf32, #tpu.memory_space<vmem_shared>> -> memref<625x144xf32, #tpu.memory_space<vmem_shared>>
      tpu.wait_dma2 semaphore(%run_scoped3A : memref<!tpu.dma_semaphore, #tpu.memory_space<semaphore_mem>>) src(%dma_wait3A_110 : memref<625x144xf32, #tpu.memory_space<vmem_shared>>) dst(%dma_wait3A_108 : memref<625x144xf32, #tpu.memory_space<hbm>>)
      tpu.yield
    }) : () -> ()
    return
  }
}

module attributes {stable_mosaic.version = 14 : i64} {
  func.func @_prep_nodes_body(%arg0: memref<10000x128xf32, #tpu.memory_space<vmem>>, %arg1: memref<128x128xf32, #tpu.memory_space<vmem>>, %arg2: memref<128x8xf32, #tpu.memory_space<vmem>>, %arg3: memref<10000x128xf32, #tpu.memory_space<vmem>>, %arg4: memref<10000x8xf32, #tpu.memory_space<vmem>>, %arg5: memref<8x16xf32, #tpu.memory_space<vmem>>) attributes {dimension_semantics = [], scalar_prefetch = 0 : i64, scratch_operands = 0 : i64, tpu.core_type = #tpu.core_type<tc>} {
    %get3A = arith.constant 0 : index
    %get3A_0 = arith.constant 0 : index
    %get3A_1 = vector.load %arg0[%get3A, %get3A_0] : memref<10000x128xf32, #tpu.memory_space<vmem>>, vector<10000x128xf32>
    %get3A_2 = arith.constant 0 : index
    %get3A_3 = arith.constant 0 : index
    %get3A_4 = vector.load %arg1[%get3A_2, %get3A_3] : memref<128x128xf32, #tpu.memory_space<vmem>>, vector<128x128xf32>
    %dot_general3A = arith.constant dense<0.000000e+00> : vector<10000x128xf32>
    %dot_general3A_5 = tpu.matmul %get3A_1, %get3A_4, %dot_general3A {dimension_numbers = #tpu.dot_dimension_numbers<[1], [0], [0], [1], [0, 0, 1, 1], [], []>, transpose_lhs_hint = false} : vector<10000x128xf32>, vector<128x128xf32>, vector<10000x128xf32> -> vector<10000x128xf32>
    %swap3A = arith.constant 0 : index
    %swap3A_6 = arith.constant 0 : index
    %swap3A_7 = vector.load %arg3[%swap3A, %swap3A_6] : memref<10000x128xf32, #tpu.memory_space<vmem>>, vector<10000x128xf32>
    tpu.vector_store %arg3[%swap3A, %swap3A_6], %dot_general3A_5 {strides = array<i32>} : memref<10000x128xf32, #tpu.memory_space<vmem>>, vector<10000x128xf32>,
    %get3A_8 = arith.constant 0 : index
    %get3A_9 = arith.constant 0 : index
    %get3A_10 = vector.load %arg2[%get3A_8, %get3A_9] : memref<128x8xf32, #tpu.memory_space<vmem>>, vector<128x8xf32>
    %dot_general3A_11 = arith.constant dense<0.000000e+00> : vector<10000x8xf32>
    %dot_general3A_12 = tpu.matmul %dot_general3A_5, %get3A_10, %dot_general3A_11 {dimension_numbers = #tpu.dot_dimension_numbers<[1], [0], [0], [1], [0, 0, 1, 1], [], []>, transpose_lhs_hint = false} : vector<10000x128xf32>, vector<128x8xf32>, vector<10000x8xf32> -> vector<10000x8xf32>
    %swap3A_13 = arith.constant 0 : index
    %swap3A_14 = arith.constant 0 : index
    %swap3A_15 = vector.load %arg4[%swap3A_13, %swap3A_14] : memref<10000x8xf32, #tpu.memory_space<vmem>>, vector<10000x8xf32>
    tpu.vector_store %arg4[%swap3A_13, %swap3A_14], %dot_general3A_12 {strides = array<i32>} : memref<10000x8xf32, #tpu.memory_space<vmem>>, vector<10000x8xf32>,
    %reduce_max3A = arith.constant dense<0xFF800000> : vector<8xf32>
    %reduce_max3A_16 = vector.multi_reduction <maximumf>, %dot_general3A_12, %reduce_max3A [0] : vector<10000x8xf32> to vector<8xf32>
    %broadcast_in_dim3A = vector.shape_cast %reduce_max3A_16 : vector<8xf32> to vector<8x1xf32>
    %broadcast_in_dim3A_17 = vector.shape_cast %broadcast_in_dim3A : vector<8x1xf32> to vector<8x1xf32>
    %broadcast_in_dim3A_18 = vector.broadcast %broadcast_in_dim3A_17 : vector<8x1xf32> to vector<8x16xf32>
    %swap3A_19 = arith.constant 0 : index
    %swap3A_20 = arith.constant 0 : index
    %swap3A_21 = vector.load %arg5[%swap3A_19, %swap3A_20] : memref<8x16xf32, #tpu.memory_space<vmem>>, vector<8x16xf32>
    tpu.vector_store %arg5[%swap3A_19, %swap3A_20], %broadcast_in_dim3A_18 {strides = array<i32>} : memref<8x16xf32, #tpu.memory_space<vmem>>, vector<8x16xf32>,
    return
  }
}

module attributes {stable_mosaic.version = 14 : i64} {
  func.func @_prep_edges_body(%arg0: i32, %arg1: memref<8000x16xf32, #tpu.memory_space<vmem>>, %arg2: memref<16x4xf32, #tpu.memory_space<vmem>>, %arg3: memref<8000x4xf32, #tpu.memory_space<vmem>>, %arg4: memref<4x16xf32, #tpu.memory_space<vmem>>) attributes {dimension_semantics = [#tpu.dimension_semantics<arbitrary>], iteration_bounds = array<i64: 40>, scalar_prefetch = 0 : i64, scratch_operands = 0 : i64, tpu.core_type = #tpu.core_type<tc>, window_params = [{transform_indices = @transform_0, window_bounds = array<i64: 8000, 16>}, {pipeline_mode = #tpu.pipeline_mode<synchronous>, transform_indices = @transform_1, window_bounds = array<i64: 16, 4>}, {transform_indices = @transform_2, window_bounds = array<i64: 8000, 4>}, {pipeline_mode = #tpu.pipeline_mode<synchronous>, transform_indices = @transform_3, window_bounds = array<i64: 4, 16>}]} {
    %get3A = arith.constant 0 : index
    %get3A_0 = arith.constant 0 : index
    %get3A_1 = vector.load %arg1[%get3A, %get3A_0] : memref<8000x16xf32, #tpu.memory_space<vmem>>, vector<8000x16xf32>
    %get3A_2 = arith.constant 0 : index
    %get3A_3 = arith.constant 0 : index
    %get3A_4 = vector.load %arg2[%get3A_2, %get3A_3] : memref<16x4xf32, #tpu.memory_space<vmem>>, vector<16x4xf32>
    %dot_general3A = arith.constant dense<0.000000e+00> : vector<8000x4xf32>
    %dot_general3A_5 = tpu.matmul %get3A_1, %get3A_4, %dot_general3A {dimension_numbers = #tpu.dot_dimension_numbers<[1], [0], [0], [1], [0, 0, 1, 1], [], []>, transpose_lhs_hint = false} : vector<8000x16xf32>, vector<16x4xf32>, vector<8000x4xf32> -> vector<8000x4xf32>
    %swap3A = arith.constant 0 : index
    %swap3A_6 = arith.constant 0 : index
    %swap3A_7 = vector.load %arg3[%swap3A, %swap3A_6] : memref<8000x4xf32, #tpu.memory_space<vmem>>, vector<8000x4xf32>
    tpu.vector_store %arg3[%swap3A, %swap3A_6], %dot_general3A_5 {strides = array<i32>} : memref<8000x4xf32, #tpu.memory_space<vmem>>, vector<8000x4xf32>,
    %reduce_max3A = arith.constant dense<0xFF800000> : vector<4xf32>
    %reduce_max3A_8 = vector.multi_reduction <maximumf>, %dot_general3A_5, %reduce_max3A [0] : vector<8000x4xf32> to vector<4xf32>
    %broadcast_in_dim3A = vector.shape_cast %reduce_max3A_8 : vector<4xf32> to vector<4x1xf32>
    %broadcast_in_dim3A_9 = vector.shape_cast %broadcast_in_dim3A : vector<4x1xf32> to vector<4x1xf32>
    %broadcast_in_dim3A_10 = vector.broadcast %broadcast_in_dim3A_9 : vector<4x1xf32> to vector<4x16xf32>
    %eq3A = arith.constant 0 : i32
    %eq3A_11 = arith.cmpi eq, %arg0, %eq3A : i32
    %convert_element_type3A = arith.extui %eq3A_11 : i1 to i32
    %cond3A = arith.constant 0 : i32
    %cond3A_12 = arith.cmpi ne, %convert_element_type3A, %cond3A : i32
    scf.if %cond3A_12 {
      %swap3A_17 = arith.constant 0 : index
      %swap3A_18 = arith.constant 0 : index
      %swap3A_19 = vector.load %arg4[%swap3A_17, %swap3A_18] : memref<4x16xf32, #tpu.memory_space<vmem>>, vector<4x16xf32>
      tpu.vector_store %arg4[%swap3A_17, %swap3A_18], %broadcast_in_dim3A_10 {strides = array<i32>} : memref<4x16xf32, #tpu.memory_space<vmem>>, vector<4x16xf32>,
    } else {
    }
    %gt3A = arith.constant 0 : i32
    %gt3A_13 = arith.cmpi sgt, %arg0, %gt3A : i32
    %convert_element_type3A_14 = arith.extui %gt3A_13 : i1 to i32
    %cond3A_15 = arith.constant 0 : i32
    %cond3A_16 = arith.cmpi ne, %convert_element_type3A_14, %cond3A_15 : i32
    scf.if %cond3A_16 {
      %get3A_17 = arith.constant 0 : index
      %get3A_18 = arith.constant 0 : index
      %get3A_19 = vector.load %arg4[%get3A_17, %get3A_18] : memref<4x16xf32, #tpu.memory_space<vmem>>, vector<4x16xf32>
      %max3A = arith.maximumf %get3A_19, %broadcast_in_dim3A_10 : vector<4x16xf32>
      %swap3A_20 = arith.constant 0 : index
      %swap3A_21 = arith.constant 0 : index
      %swap3A_22 = vector.load %arg4[%swap3A_20, %swap3A_21] : memref<4x16xf32, #tpu.memory_space<vmem>>, vector<4x16xf32>
      tpu.vector_store %arg4[%swap3A_20, %swap3A_21], %max3A {strides = array<i32>} : memref<4x16xf32, #tpu.memory_space<vmem>>, vector<4x16xf32>,
    } else {
    }
    return
  }
  func.func @transform_0(%arg0: i32) -> (i32, i32) {
    %c0_i32 = arith.constant 0 : i32
    %c0_i32_0 = arith.constant 0 : i32
    return %arg0, %c0_i32 : i32, i32
  }
  func.func @transform_1(%arg0: i32) -> (i32, i32) {
    %c0_i32 = arith.constant 0 : i32
    %c0_i32_0 = arith.constant 0 : i32
    %c0_i32_1 = arith.constant 0 : i32
    return %c0_i32, %c0_i32_0 : i32, i32
  }
  func.func @transform_2(%arg0: i32) -> (i32, i32) {
    %c0_i32 = arith.constant 0 : i32
    %c0_i32_0 = arith.constant 0 : i32
    return %arg0, %c0_i32 : i32, i32
  }
  func.func @transform_3(%arg0: i32) -> (i32, i32) {
    %c0_i32 = arith.constant 0 : i32
    %c0_i32_0 = arith.constant 0 : i32
    %c0_i32_1 = arith.constant 0 : i32
    return %c0_i32, %c0_i32_0 : i32, i32
  }
}

module attributes {stable_mosaic.version = 14 : i64} {
  func.func @_post_body(%arg0: memref<2x10000x144xf32, #tpu.memory_space<vmem>>, %arg1: memref<4x128xf32, #tpu.memory_space<vmem>>, %arg2: memref<128x128xf32, #tpu.memory_space<vmem>>, %arg3: memref<1x128xf32, #tpu.memory_space<vmem>>, %arg4: memref<10000x128xf32, #tpu.memory_space<vmem>>) attributes {dimension_semantics = [], scalar_prefetch = 0 : i64, scratch_operands = 0 : i64, tpu.core_type = #tpu.core_type<tc>} {
    %get3A = arith.constant 0 : index
    %get3A_0 = arith.constant 0 : index
    %get3A_1 = arith.constant 0 : index
    %get3A_2 = vector.load %arg0[%get3A, %get3A_0, %get3A_1] : memref<2x10000x144xf32, #tpu.memory_space<vmem>>, vector<1x10000x144xf32>
    %get3A_3 = vector.shape_cast %get3A_2 : vector<1x10000x144xf32> to vector<10000x144xf32>
    %get3A_4 = arith.constant 1 : index
    %get3A_5 = arith.constant 0 : index
    %get3A_6 = arith.constant 0 : index
    %get3A_7 = vector.load %arg0[%get3A_4, %get3A_5, %get3A_6] : memref<2x10000x144xf32, #tpu.memory_space<vmem>>, vector<1x10000x144xf32>
    %get3A_8 = vector.shape_cast %get3A_7 : vector<1x10000x144xf32> to vector<10000x144xf32>
    %add3A = arith.addf %get3A_3, %get3A_8 : vector<10000x144xf32>
    %slice3A = vector.extract_strided_slice %add3A {offsets = [0, 0], sizes = [10000, 128], strides = [1, 1]} : vector<10000x144xf32> to vector<10000x128xf32>
    %slice3A_9 = vector.extract_strided_slice %add3A {offsets = [0, 128], sizes = [10000, 4], strides = [1, 1]} : vector<10000x144xf32> to vector<10000x4xf32>
    %get3A_10 = arith.constant 0 : index
    %get3A_11 = arith.constant 0 : index
    %get3A_12 = vector.load %arg1[%get3A_10, %get3A_11] : memref<4x128xf32, #tpu.memory_space<vmem>>, vector<4x128xf32>
    %dot_general3A = arith.constant dense<0.000000e+00> : vector<10000x128xf32>
    %dot_general3A_13 = tpu.matmul %slice3A_9, %get3A_12, %dot_general3A {dimension_numbers = #tpu.dot_dimension_numbers<[1], [0], [0], [1], [0, 0, 1, 1], [], []>, transpose_lhs_hint = false} : vector<10000x4xf32>, vector<4x128xf32>, vector<10000x128xf32> -> vector<10000x128xf32>
    %add3A_14 = arith.constant 1.000000e-16 : f32
    %add3A_15 = vector.broadcast %add3A_14 : f32 to vector<10000x128xf32>
    %add3A_16 = arith.addf %dot_general3A_13, %add3A_15 : vector<10000x128xf32>
    %div3A = arith.divf %slice3A, %add3A_16 : vector<10000x128xf32>
    %get3A_17 = arith.constant 0 : index
    %get3A_18 = arith.constant 0 : index
    %get3A_19 = vector.load %arg2[%get3A_17, %get3A_18] : memref<128x128xf32, #tpu.memory_space<vmem>>, vector<128x128xf32>
    %dot_general3A_20 = arith.constant dense<0.000000e+00> : vector<10000x128xf32>
    %dot_general3A_21 = tpu.matmul %div3A, %get3A_19, %dot_general3A_20 {dimension_numbers = #tpu.dot_dimension_numbers<[1], [0], [0], [1], [0, 0, 1, 1], [], []>, transpose_lhs_hint = false} : vector<10000x128xf32>, vector<128x128xf32>, vector<10000x128xf32> -> vector<10000x128xf32>
    %get3A_22 = arith.constant 0 : index
    %get3A_23 = arith.constant 0 : index
    %get3A_24 = vector.load %arg3[%get3A_22, %get3A_23] : memref<1x128xf32, #tpu.memory_space<vmem>>, vector<1x128xf32>
    %add3A_25 = vector.broadcast %get3A_24 : vector<1x128xf32> to vector<10000x128xf32>
    %add3A_26 = arith.addf %dot_general3A_21, %add3A_25 : vector<10000x128xf32>
    %gt3A = arith.constant 0.000000e+00 : f32
    %gt3A_27 = vector.broadcast %gt3A : f32 to vector<10000x128xf32>
    %gt3A_28 = arith.cmpf ogt, %add3A_26, %gt3A_27 : vector<10000x128xf32>
    %exp3A = math.exp %add3A_26 : vector<10000x128xf32>
    %sub3A = arith.constant 1.000000e+00 : f32
    %sub3A_29 = vector.broadcast %sub3A : f32 to vector<10000x128xf32>
    %sub3A_30 = arith.subf %exp3A, %sub3A_29 : vector<10000x128xf32>
    %select_n3A = arith.select %gt3A_28, %add3A_26, %sub3A_30 : vector<10000x128xi1>, vector<10000x128xf32>
    %swap3A = arith.constant 0 : index
    %swap3A_31 = arith.constant 0 : index
    %swap3A_32 = vector.load %arg4[%swap3A, %swap3A_31] : memref<10000x128xf32, #tpu.memory_space<vmem>>, vector<10000x128xf32>
    tpu.vector_store %arg4[%swap3A, %swap3A_31], %select_n3A {strides = array<i32>} : memref<10000x128xf32, #tpu.memory_space<vmem>>, vector<10000x128xf32>,
    return
  }
}

</mosaic_0001>

<sc_bundles>
// kernel: kernel.6.cloned.1.call-start
scs
__scs_entry_jumppad:
0x0: {  	(pc) =	sbr.rel $0x88, $3  }
0x1: {  	(tag) =	ssettag $0x0;
	lr =	simm.s32 $0x1  }
0x2: {  	[smem:$0x3F99] =	sst lr;
	_ =	strace $0xD0000000  }
0x3: {  	_ = 	snop  }
0x4: {  	_ = 	snop  }
0x5: {  	_ = 	snop  }
0x6: {  	_ = 	snop  }
0x7: {  	_ = 	snop  }
__scs_overlays_trampoline_lowered:
0x8: {  	[smem:$0x3FA8] =	sst s0  }
0x9: {  	[smem:$0x3FA9] =	sst s1  }
0xa: {  	[smem:$0x3FAA] =	sst s2  }
0xb: {  	[smem:$0x3FAB] =	sst s3  }
0xc: {  	[smem:$0x3FAC] =	sst s4  }
0xd: {  	[smem:$0x3FAD] =	sst s5  }
0xe: {  	[smem:$0x3FAE] =	sst s6  }
0xf: {  	[smem:$0x3FAF] =	sst s7  }
0x10: {  	[smem:$0x3FB0] =	sst s8  }
0x11: {  	[smem:$0x3FB1] =	sst s9;
	s0 =	simm.s32 @!p0 $0x0  }
0x12: {  	s1 =	sld [smem:$0x3F97];
	s0 =	simm.s32 @p0 $0x1  }
0x13: {  	[smem:$0x3FB2] =	sst s0;
	s0 =	simm.s32 @!p1 $0x0  }
0x14: {  	s2 =	sld [smem:$0x3F96];
	s0 =	simm.s32 @p1 $0x1  }
0x15: {  	[smem:$0x3FB3] =	sst s0;
	s0 =	simm.s32 @!p2 $0x0  }
0x16: {  	s3 =	sld [smem:$0x3FDB];
	s0 =	simm.s32 @p2 $0x1  }
0x17: {  	s4 =	simm.s32 $0x1BF5;
	[smem:$0x3FB5] =	sst s0  }
0x18: {  	s0 =	sld [smem:$0x3F98];
	_ =	swait.ge [sflag:s4], $0x0  }
0x19: {  	s7 =	sld [smem:$0x3F99]  }
0x1a: {  	s8 =	sadd.s32 $0xFFFFE003, lr  }
0x1b: {  	s9 =	sadd.s32 $0xFFFFFEF7, lr;
	s5 =	simm.s32 $0xFFFFFFFF;
	p2 =	slt.u32 s8, $0xFFFFF086  }
0x1c: {  	p1 =	slt.u32 s9, $0xF7A;
	s5 =	simm.s32 @!p2 $0x0  }
0x1d: {  	s5 =	simm.s32 @p1 $0x1;
	p0 =	seq.s32 s7, s2  }
0x1e: {  	s7 =	smul.u32 @!p0 $0xF7A, s2;
	p2 =	seq.s32 @!p0 s5, $0x0  }
0x1f: {  	s9 =	smul.u32 $0xF7A, s1;
	s8 =	simm.s32 @!p0 $0x1BF5;
	p2 =	por !p2, p0  }
0x20: {  	[sflag:s8] =	ssyncset.s32 @!p0 $0xFFFFF086;
	s6 =	sadd.s32 @!p0 s3, s7;
	s7 =	simm.s32 @!p0 $0x108  }
0x21: {  	s3 =	sadd.s32 s3, s9;
	s6 =	sadd.s32 @!p0 $0x88, s6;
	s7 =	simm.s32 @p2 $0x1082  }
0x22: {  	[simem:s7], [sflag:s8] =	dma.local @!p0 [hbm:s6], $0xF7A  }
0x23: {  	s9 =	sor.u32 $0xD0000000, s2;
	s6 =	simm.s32 $0x108;
	_ =	swait.ge @!p0 [sflag:s8], $0x0  }
0x24: {  	s3 =	sadd.s32 $0x88, s3;
	s6 =	simm.s32 @!p1 $0x1082;
	[sflag:s4] =	ssyncset.s32 $0xFFFFF086  }
0x25: {  	[simem:s6], [sflag:s4] =	dma.local [hbm:s3], $0xF7A  }
0x26: {  	[smem:$0x3F99] =	sst s1;
	(tag) =	ssettag s2;
	_ =	strace s9  }
0x27: {  	s1 =	sld [smem:$0x3FA9]  }
0x28: {  	s2 =	sld [smem:$0x3FAA]  }
0x29: {  	s4 =	sld [smem:$0x3FAC]  }
0x2a: {  	p0 =	seq.s32 s5, $0x0;
	s5 =	sld [smem:$0x3FAD]  }
0x2b: {  	s6 =	sld [smem:$0x3FAE]  }
0x2c: {  	s7 =	sld [smem:$0x3FAF]  }
0x2d: {  	s3 =	simm.s32 $0x108;
	s8 =	sld [smem:$0x3FB0]  }
0x2e: {  	s3 =	simm.s32 @!p0 $0x1082;
	s9 =	sld [smem:$0x3FB1]  }
0x2f: {  	lr =	sadd.s32 s0, s3;
	s0 =	sld [smem:$0x3FA8]  }
0x30: {  	s3 =	sld [smem:$0x3FAB]  }
0x31: {  	[smem:$0x3FB4] =	sst s10  }
0x32: {  	s10 =	sld [smem:$0x3FB2];
	_ =	sdelay $0x3  }
0x33: {  	p0 =	seq.s32 s10, $0x1;
	s10 =	sld [smem:$0x3FB4];
	_ =	sdelay $0x3  }
0x34: {  	[smem:$0x3FB4] =	sst s10  }
0x35: {  	s10 =	sld [smem:$0x3FB3];
	_ =	sdelay $0x3  }
0x36: {  	p1 =	seq.s32 s10, $0x1;
	s10 =	sld [smem:$0x3FB4];
	_ =	sdelay $0x3  }
0x37: {  	[smem:$0x3FB4] =	sst s10  }
0x38: {  	s10 =	sld [smem:$0x3FB5]  }
0x39: {  	_ = 	snop;
	(pc) =	sbr.ind lr, $3  }
0x3a: {  	_ = 	snop  }
0x3b: {  	_ = 	snop  }
0x3c: {  	p2 =	seq.s32 s10, $0x1;
	s10 =	sld [smem:$0x3FB4]  }
0x3d: {  	_ =	shalt  }
0x3e: {  	_ =	shalt  }
0x3f: {  	_ =	shalt  }
0x40: {  	_ =	shalt  }
0x41: {  	_ =	shalt  }
0x42: {  	_ =	shalt  }
0x43: {  	_ =	shalt  }
0x44: {  	_ =	shalt  }
0x45: {  	_ =	shalt  }
0x46: {  	_ =	shalt  }
0x47: {  	_ =	shalt  }
0x48: {  	_ =	shalt  }
0x49: {  	_ =	shalt  }
0x4a: {  	_ =	shalt  }
0x4b: {  	_ =	shalt  }
0x4c: {  	_ =	shalt  }
0x4d: {  	_ =	shalt  }
0x4e: {  	_ =	shalt  }
0x4f: {  	_ =	shalt  }
0x50: {  	_ =	shalt  }
0x51: {  	_ =	shalt  }
0x52: {  	_ =	shalt  }
0x53: {  	_ =	shalt  }
0x54: {  	_ =	shalt  }
0x55: {  	_ =	shalt  }
0x56: {  	_ =	shalt  }
0x57: {  	_ =	shalt  }
0x58: {  	_ =	shalt  }
0x59: {  	_ =	shalt  }
0x5a: {  	_ =	shalt  }
0x5b: {  	_ =	shalt  }
0x5c: {  	_ =	shalt  }
0x5d: {  	_ =	shalt  }
0x5e: {  	_ =	shalt  }
0x5f: {  	_ =	shalt  }
0x60: {  	_ =	shalt  }
0x61: {  	_ =	shalt  }
0x62: {  	_ =	shalt  }
0x63: {  	_ =	shalt  }
0x64: {  	_ =	shalt  }
0x65: {  	_ =	shalt  }
0x66: {  	_ =	shalt  }
0x67: {  	_ =	shalt  }
0x68: {  	_ =	shalt  }
0x69: {  	_ =	shalt  }
0x6a: {  	_ =	shalt  }
0x6b: {  	_ =	shalt  }
0x6c: {  	_ =	shalt  }
0x6d: {  	_ =	shalt  }
0x6e: {  	_ =	shalt  }
0x6f: {  	_ =	shalt  }
0x70: {  	_ =	shalt  }
0x71: {  	_ =	shalt  }
0x72: {  	_ =	shalt  }
0x73: {  	_ =	shalt  }
0x74: {  	_ =	shalt  }
0x75: {  	_ =	shalt  }
0x76: {  	_ =	shalt  }
0x77: {  	_ =	shalt  }
0x78: {  	_ =	shalt  }
0x79: {  	_ =	shalt  }
0x7a: {  	_ =	shalt  }
0x7b: {  	_ =	shalt  }
0x7c: {  	_ =	shalt  }
0x7d: {  	_ =	shalt  }
0x7e: {  	_ =	shalt  }
0x7f: {  	_ =	shalt  }
0x80: {  	_ =	shalt  }
0x81: {  	_ =	shalt  }
0x82: {  	_ =	shalt  }
0x83: {  	_ =	shalt  }
0x84: {  	_ =	shalt  }
0x85: {  	_ =	shalt  }
0x86: {  	_ =	shalt  }
0x87: {  	_ =	shalt  }
.Lfunc_end0:
.L_simem_size_0:
called_computation_lowered:
.L_overlay_start_0:
0x88: {  	s2 =	sld [smem:$0x3FD9]  }
0x89: {  	s3 =	sld [smem:$0x3FFE];
	_ =	sdelay $0x1  }
0x8a: {  	s1 =	srdreg.scid  }
0x8b: {  	s0 =	sand.u32 $0x1, s1  }
0x8c: {  	s17 =	sshll.u32 s0, $0xA;
	s2 =	sadd.s32 s3, s2  }
0x8d: {  	s2 =	sadd.s32 s2, s17  }
0x8e: {  	[smem:$0x3FC0] =	sst s2  }
0x8f: {  	_ = 	snop  }
0x90: {  	s2 =	sld [smem:$0x3FD0];
	(tm) =	ssettm $0x1  }
0x91: {  	s18 =	sld [smem:$0x3FFB];
	_ =	sdelay $0x3  }
0x92: {  	_ =	strace s18  }
0x93: {  	s3 =	sld [smem:$0x3FFC];
	_ =	sdelay $0x3  }
0x94: {  	_ =	strace s3  }
0x95: {  	s3 =	sld [smem:$0x3FFD];
	_ =	sdelay $0x3  }
0x96: {  	_ =	strace s3  }
0x97: {  	_ =	strace $0x8FFFFFFF  }
0x98: {  	s19 =	sld [smem:$0x3FDB];
	_ =	sdelay $0x1  }
0x99: {  	s4 =	simm.s32 $_scs_section_size  }
0x9a: {  	s5 =	simm.s32 $_size__tile_overlayer_lowered;
	s6 =	simm.s32 $_tile_overlayer_lowered  }
0x9b: {  	s22 =	simm.s32 $0x1BFF;
	s21 =	sshll.u32 s6, $0x1;
	s3 =	sadd.s32 s4, s19  }
0x9c: {  	s7 =	simm.s32 $0x0;
	s20 =	sshll.u32 s5, $0x1;
	s5 =	sadd.s32 s21, s3  }
0x9d: {  	[timem:s7], [sflag:s22] =	dma.local [hbm:s5], s20  }
0x9e: {  	_ =	swait.ge [sflag:s22], s20  }
0x9f: {  	s4 =	ssub.s32 $0x0, s20;
	[sflag:s22] =	ssyncset.done $0x0  }
0xa0: {  	[sflag:s22] =	ssyncadd.s32 s4;
	_ =	sdelay $0x1  }
0xa1: {  	s23 =	simm.s32 $0x1B8B  }
0xa2: {  	_ =	swait.ge [sflag:s23], $0x1  }
0xa3: {  	[sflag:s23] =	ssyncset.done $0x0  }
0xa4: {  	s25 =	simm.s32 $0x1B8E;
	s24 =	sld [smem:$0x3FFE];
	[sflag:s23] =	ssyncadd.s32 $0xFFFFFFFF  }
0xa5: {  	s26 =	simm.s32 $execute0_lowered;
	[smem:$0x3FD2] =	sst s25  }
0xa6: {  	s5 =	sshll.u32 s26, $0x1;
	_ =	strace $0x80000046;
	[dreg:$0x1] =	wrdreg $0xFFFFFFFF  }
0xa7: {  	s28 =	simm.s32 $_size_execute0_lowered;
	s3 =	sadd.s32 s3, s5;
	[dreg:$0x0] =	wrdreg $0x0  }
0xa8: {  	s5 =	sshll.u32 s28, $0x1;
	[dreg:$0x2] =	wrdreg s3  }
0xa9: {  	[dreg:$0x3] =	wrdreg s5  }
0xaa: {  	[dreg:$0x4] =	wrdreg $0xC0  }
0xab: {  	_ =	task [dreg:s7], $0x5FFFF  }
0xac: {  	[dreg:$0x1] =	wrdreg $0xFFFFFFFF  }
0xad: {  	[dreg:$0x0] =	wrdreg $0x60  }
0xae: {  	[dreg:$0x2] =	wrdreg s24  }
0xaf: {  	[dreg:$0x3] =	wrdreg s2  }
0xb0: {  	[dreg:$0x4] =	wrdreg $0x5DE00  }
0xb1: {  	[dreg:$0x5] =	wrdreg $0x9  }
0xb2: {  	_ =	task.clear_ibuf [dreg:s7], $0x6FFFF;
	_ =	strace $0x90000046  }
0xb3: {  	s29 =	simm.s32 $0x9;
	_ =	strace $0x80000048  }
0xb4: {  	_ =	swait.ge [sflag:s29], $0x1  }
0xb5: {  	[sflag:s29] =	ssyncadd.s32 $0xFFFFFFFF  }
0xb6: {  	_ =	strace $0x90000048  }
0xb7: {  	_ =	sfence  }
0xb8: {  	s30 =	sld [smem:$0x0];
	_ =	sdelay $0x2  }
0xb9: {  	s31 =	sshll.u32 s1, $0xD;
	s1 =	sshrl.u32 s1, $0x2  }
0xba: {  	s3 =	sand.u32 $0x4000, s31;
	s1 =	sadd.s32 s1, s30  }
0xbb: {  	s0 =	sor.u32 s3, s0;
	s1 =	sshll.u32 s1, $0x11  }
0xbc: {  	s0 =	sor.u32 s1, s0  }
0xbd: {  	s0 =	sadd.s32 $0x8F2B, s0  }
0xbe: {  	[sflag:s0] =	ssyncadd.remote.s32 $0x1  }
0xbf: {  	_ =	sfence.sel $0xFFFF  }
0xc0: {  	[dreg:$0x0] =	wrdreg $0xFFFFFFFF;
	(pc) =	sbr.abs _section_cstart, $3  }
0xc1: {  	[dreg:$0x1] =	wrdreg $0xFFFFFFFF  }
0xc2: {  	_ =	task.clear_ibuf [dreg:s7], $0x2FFFF;
	_ =	strace $0x9FFFFFFF  }
0xc3: {  	(tm) =	ssettm $0x7FFFFFFF  }
tec
execute0_lowered:
.L_overlay_start_1:
0x0: {  	(tag) =	ssettag $0x1  }
0x1: {  	s0 =	rddreg [dreg:$0x0];
	v1 =	vlaneseq.u32  }
0x2: {  	s1 =	rddreg [dreg:$0x1];
	v0 =	vmul.u32 $0x8, v1;
	v1 =	vmul.u32 $0x90, v1  }
0x3: {  	s2 =	rddreg [dreg:$0x2];
	v2 =	vimm.f32 $0.0e+00  }
0x4: {  	s3 =	srdreg.scid;
	s12 =	stileid.u32;
	s5 =	simm.s32 $0x0;
	v3 =	vor.u32 $0x4, v0;
	v4 =	vadd.s32 $0x80, v1;
	v5 =	vor.u32 $0x1, v0  }
0x5: {  	s28 =	simm.s32 $0xA0;
	s29 =	simm.s32 $0x820;
	s30 =	simm.s32 $0x320;
	v6 =	vor.u32 $0x5, v0;
	v7 =	vadd.s32 $0x81, v1;
	v8 =	vor.u32 $0x2, v0  }
0x6: {  	s31 =	simm.s32 $0x5A0;
	s4 =	smul.u32 $0x15F90, s12;
	[smem:$0x7FF] =	sst s5;
	v9 =	vor.u32 $0x6, v0;
	v10 =	vadd.s32 $0x82, v1;
	v11 =	vor.u32 $0x3, v0  }
0x7: {  	s5 =	sadd.s32 $0xD200, s0;
	s6 =	sadd.s32 $0x3400, s0;
	s7 =	sadd.s32 $0x800, s0;
	v12 =	vor.u32 $0x7, v0;
	v13 =	vadd.s32 $0x83, v1;
	v14 =	vor.u32 $0x80, v0  }
0x8: {  	s3 =	sand.u32 $0x1, s3;
	s8 =	sadd.s32 $0x4E5200, s0;
	s23 =	smul.u32 $0x57E40, s12;
	v15 =	vor.u32 $0x84, v0;
	v16 =	vadd.s32 $0x980, v1;
	v17 =	vor.u32 $0x81, v0  }
0x9: {  	s22 =	simm.s32 $0x0;
	s10 =	sadd.s32 $0x3000, s0;
	s9 =	smul.u32 $0x15F900, s3;
	v18 =	vor.u32 $0x85, v0;
	v19 =	vadd.s32 $0x981, v1;
	v20 =	vor.u32 $0x82, v0  }
0xa: {  	s11 =	sadd.s32 $0x3200, s0;
	_ =	strace $0x80000047;
	[dreg:$0x4] =	wrdreg s10;
	v21 =	vor.u32 $0x86, v0;
	v22 =	vadd.s32 $0x982, v1;
	v23 =	vor.u32 $0x83, v0  }
0xb: {  	[dreg:$0x5] =	wrdreg s11;
	s24 =	ssub.s32 $0x2, s3;
	s3 =	sshll.u32 s3, $0x4;
	v24 =	vor.u32 $0x87, v0;
	v25 =	vadd.s32 $0x983, v1;
	v26 =	vor.u32 $0x100, v0  }
0xc: {  	s25 =	sshrl.u32 s24, $0x1;
	s10 =	sshrl.u32 s23, $0x2;
	s3 =	sor.u32 s12, s3;
	v27 =	vor.u32 $0x104, v0;
	v28 =	vadd.s32 $0x1280, v1;
	v29 =	vor.u32 $0x101, v0  }
0xd: {  	s12 =	sadd.s32 s4, s2;
	v30 =	vor.u32 $0x105, v0;
	v31 =	vadd.s32 $0x1281, v1;
	v32 =	vor.u32 $0x102, v0;
	s23 =	simm.s32 $0x1;
	s9 =	sadd.s32 s4, s9  }
0xe: {  	v33 =	vor.u32 $0x106, v0;
	v34 =	vadd.s32 $0x1282, v1;
	v35 =	vor.u32 $0x103, v0;
	s10 =	sadd.s32 s10, s2;
	s11 =	smul.u32 $0x2710, s3;
	s9 =	sshrl.u32 s9, $0x3  }
0xf: {  	v36 =	vor.u32 $0x107, v0;
	v37 =	vadd.s32 $0x1283, v1;
	v38 =	vor.u32 $0x180, v0;
	s26 =	sadd.s32 $0x2D00, s10;
	s14 =	sadd.s32 $0x5A00, s10;
	s15 =	sadd.s32 $0x8700, s10  }
0x10: {  	v39 =	vor.u32 $0x184, v0;
	v40 =	vadd.s32 $0x1B80, v1;
	v41 =	vor.u32 $0x181, v0;
	s16 =	sadd.s32 $0xB400, s10;
	s17 =	sadd.s32 $0xE100, s10;
	s18 =	sadd.s32 $0x10E00, s10  }
0x11: {  	v42 =	vor.u32 $0x185, v0;
	v43 =	vadd.s32 $0x1B81, v1;
	v44 =	vor.u32 $0x182, v0;
	s19 =	sadd.s32 $0x13B00, s10;
	s0 =	sadd.s32 s9, s0;
	s9 =	ssub.s32 s24, s25  }
0x12: {  	v45 =	vor.u32 $0x186, v0;
	v46 =	vadd.s32 $0x1B82, v1;
	v47 =	vor.u32 $0x183, v0;
	[dreg:$0x6] =	wrdreg s26;
	s25 =	simm.s32 $0x3020;
	s26 =	simm.s32 $0x50  }
0x13: {  	v48 =	vor.u32 $0x187, v0;
	v49 =	vadd.s32 $0x1B83, v1;
	v50 =	vor.u32 $0x200, v0;
	s20 =	sadd.s32 $0x17000, s0;
	s21 =	smax.u32 s9, $0x1;
	s0 =	simm.s32 $0x0  }
.LBB2_1:
0x14: {  	s3 =	simm.s32 $0x0;
	s4 =	rddreg [dreg:$0x4];
	s9 =	simm.s32 $0x5D20  }
0x15: {  	[tilespmem:s9], [sflag:$0x1] =	stream.linear.gather [hbm4b:s4+s3], $0x80, $0x38;
	[tilespmem:$0x1BD70] =	vst v63  }
0x16: {  	_ =	swait.ge [sflag:s23], $0x80  }
0x17: {  	[sflag:s23] =	ssyncset.done $0x0  }
0x18: {  	s24 =	simm.s32 $0x5DA0;
	s13 =	rddreg [dreg:$0x5];
	[sflag:s23] =	ssyncadd.s32 $0xFFFFFF80  }
0x19: {  	[tilespmem:s24], [sflag:$0x1] =	stream.linear.gather [hbm4b:s13+s3], $0x40, $0x38;
	[tilespmem:$0x1BD70] =	vst v63  }
0x1a: {  	_ =	swait.ge [sflag:s23], $0x40  }
0x1b: {  	[sflag:s23] =	ssyncset.done $0x0  }
0x1c: {  	[sflag:s23] =	ssyncadd.s32 $0xFFFFFFC0  }
0x1d: {  	v54 =	vld [tilespmem:$0x5D20]  }
0x1e: {  	v55 =	vld [tilespmem:$0x5D60]  }
0x1f: {  	v51 =	vld [tilespmem:$0x5DA0]  }
0x20: {  	v57 =	vld [tilespmem:$0x5D30]  }
0x21: {  	v58 =	vld [tilespmem:$0x5D70]  }
0x22: {  	v52 =	vld [tilespmem:$0x5DB0]  }
0x23: {  	v59 =	vld [tilespmem:$0x5D40]  }
0x24: {  	v60 =	vld [tilespmem:$0x5D80]  }
0x25: {  	v53 =	vld [tilespmem:$0x5DC0]  }
0x26: {  	v61 =	vld [tilespmem:$0x5D50]  }
0x27: {  	v62 =	vld [tilespmem:$0x5D90]  }
0x28: {  	s4 =	simm.s32 $0x240;
	s3 =	simm.s32 $0x0;
	v56 =	vld [tilespmem:$0x5DD0]  }
.LBB2_2:
0x29: {  	p0 =	sne.s32 s4, $0xB1C0;
	[tilespmem:s3+$0x30A0] =	vst v2  }
0x2a: {  	[tilespmem:s3+$0x3020] =	vst v2  }
0x2b: {  	[tilespmem:s3+$0x3030] =	vst v2  }
0x2c: {  	[tilespmem:s3+$0x3040] =	vst v2  }
.Ltmp0:
0x2d: {  	[tilespmem:s3+$0x3050] =	vst v2;
	(pc) =	sbr.rel @p0 .LBB2_2-.Ltmp0, $4  }
0x2e: {  	[tilespmem:s3+$0x3060] =	vst v2  }
0x2f: {  	[tilespmem:s3+$0x3070] =	vst v2  }
0x30: {  	[tilespmem:s3+$0x3080] =	vst v2  }
0x31: {  	[tilespmem:s3+$0x3090] =	vst v2;
	s3 =	sshra.s32 s4, $0x2;
	s4 =	sadd.s32 $0x240, s4  }
0x32: {  	[tilespmem:s3+$0x30A0] =	vst v2  }
0x33: {  	[tilespmem:s3+$0x3020] =	vst v2  }
0x34: {  	[tilespmem:s3+$0x3030] =	vst v2  }
0x35: {  	[tilespmem:s3+$0x3040] =	vst v2  }
0x36: {  	[tilespmem:s3+$0x3050] =	vst v2  }
0x37: {  	[tilespmem:s3+$0x3060] =	vst v2  }
0x38: {  	[tilespmem:s3+$0x3070] =	vst v2  }
0x39: {  	[tilespmem:s3+$0x3080] =	vst v2  }
0x3a: {  	[tilespmem:s3+$0x3090] =	vst v2  }
0x3b: {  	[spmem:s12] =	stream.linear.scatter [tilespmem:s25], [sflag:$0x1], $0x2D00, $0x38;
	[tilespmem:$0x1BD70] =	vst v63  }
0x3c: {  	_ =	swait.ge [sflag:s23], $0x2D00  }
0x3d: {  	[sflag:s23] =	ssyncset.done $0x0  }
0x3e: {  	s24 =	rddreg [dreg:$0x6];
	[sflag:s23] =	ssyncadd.s32 $0xFFFFD300  }
0x3f: {  	[spmem:s24] =	stream.linear.scatter [tilespmem:s25], [sflag:$0x1], $0x2D00, $0x38;
	[tilespmem:$0x1BD70] =	vst v63  }
0x40: {  	_ =	swait.ge [sflag:s23], $0x2D00  }
0x41: {  	[sflag:s23] =	ssyncset.done $0x0  }
0x42: {  	[sflag:s23] =	ssyncadd.s32 $0xFFFFD300  }
0x43: {  	[spmem:s14] =	stream.linear.scatter [tilespmem:s25], [sflag:$0x1], $0x2D00, $0x38;
	[tilespmem:$0x1BD70] =	vst v63  }
0x44: {  	_ =	swait.ge [sflag:s23], $0x2D00  }
0x45: {  	[sflag:s23] =	ssyncset.done $0x0  }
0x46: {  	[sflag:s23] =	ssyncadd.s32 $0xFFFFD300  }
0x47: {  	[spmem:s15] =	stream.linear.scatter [tilespmem:s25], [sflag:$0x1], $0x2D00, $0x38;
	[tilespmem:$0x1BD70] =	vst v63  }
0x48: {  	_ =	swait.ge [sflag:s23], $0x2D00  }
0x49: {  	[sflag:s23] =	ssyncset.done $0x0  }
0x4a: {  	[sflag:s23] =	ssyncadd.s32 $0xFFFFD300  }
0x4b: {  	[spmem:s16] =	stream.linear.scatter [tilespmem:s25], [sflag:$0x1], $0x2D00, $0x38;
	[tilespmem:$0x1BD70] =	vst v63  }
0x4c: {  	_ =	swait.ge [sflag:s23], $0x2D00  }
0x4d: {  	[sflag:s23] =	ssyncset.done $0x0  }
0x4e: {  	[sflag:s23] =	ssyncadd.s32 $0xFFFFD300  }
0x4f: {  	[spmem:s17] =	stream.linear.scatter [tilespmem:s25], [sflag:$0x1], $0x2D00, $0x38;
	[tilespmem:$0x1BD70] =	vst v63  }
0x50: {  	_ =	swait.ge [sflag:s23], $0x2D00  }
0x51: {  	[sflag:s23] =	ssyncset.done $0x0  }
0x52: {  	[sflag:s23] =	ssyncadd.s32 $0xFFFFD300  }
0x53: {  	[spmem:s18] =	stream.linear.scatter [tilespmem:s25], [sflag:$0x1], $0x2D00, $0x38;
	[tilespmem:$0x1BD70] =	vst v63  }
0x54: {  	v54 =	vadd.f32 v55, v54;
	v55 =	vadd.f32 v58, v57;
	_ =	swait.ge [sflag:s23], $0x2D00  }
0x55: {  	v63 =	vadd.f32 v60, v59;
	v60 =	vadd.f32 v62, v61;
	[sflag:s23] =	ssyncset.done $0x0  }
0x56: {  	v51 =	vadd.f32 v51, v54;
	v52 =	vadd.f32 v52, v55;
	[sflag:s23] =	ssyncadd.s32 $0xFFFFD300  }
0x57: {  	v53 =	vadd.f32 v53, v63;
	v61 =	vadd.f32 v56, v60;
	[spmem:s19] =	stream.linear.scatter [tilespmem:s25], [sflag:$0x1], $0x2490, $0x38;
	[tilespmem:$0x1BD70] =	vst v63  }
0x58: {  	v62 =	vmul.f32 $2.000000030e-01, v51;
	v63 =	vmul.f32 $2.000000030e-01, v52;
	_ =	swait.ge [sflag:s23], $0x2490  }
0x59: {  	v57 =	vmul.f32 $2.000000030e-01, v53;
	v58 =	vmul.f32 $2.000000030e-01, v61;
	[sflag:s23] =	ssyncset.done $0x0  }
0x5a: {  	v51 =	vmax.f32 v51, v62;
	[sflag:s23] =	ssyncadd.s32 $0xFFFFDB70  }
0x5b: {  	s3 =	simm.s32 $0x0;
	v52 =	vmax.f32 v52, v63;
	v53 =	vmax.f32 v53, v57;
	v54 =	vmax.f32 v61, v58;
	[bflag:$0x0] =	sbarrier.arrive $0xFFFF  }
.LBB2_4:
0x5c: {  	s4 =	smul.u32 $0x50, s3;
	_ =	sdelay $0x1  }
0x5d: {  	s4 =	sadd.s32 s11, s4  }
0x5e: {  	s9 =	sshrl.u32 s4, $0x3  }
0x5f: {  	s10 =	sadd.s32 s5, s9  }
0x60: {  	[tilespmem:s22], [sflag:$0x1] =	stream.linear.gather [hbm4b:s10+s22], $0x50, $0x38;
	[tilespmem:$0x1BD70] =	vst v63  }
0x61: {  	_ =	swait.ge [sflag:s23], $0x50  }
0x62: {  	[sflag:s23] =	ssyncset.done $0x0  }
0x63: {  	s9 =	sadd.s32 s6, s9;
	[sflag:s23] =	ssyncadd.s32 $0xFFFFFFB0  }
0x64: {  	[tilespmem:s26], [sflag:$0x1] =	stream.linear.gather [hbm4b:s9+s22], $0x50, $0x38;
	[tilespmem:$0x1BD70] =	vst v63  }
0x65: {  	_ =	swait.ge [sflag:s23], $0x50  }
0x66: {  	[sflag:s23] =	ssyncset.done $0x0  }
0x67: {  	s4 =	sadd.s32 s8, s4;
	[sflag:s23] =	ssyncadd.s32 $0xFFFFFFB0  }
0x68: {  	[tilespmem:s28], [sflag:$0x1] =	stream.linear.gather [hbm4b:s4+s22], $0x280, $0x38;
	[tilespmem:$0x1BD70] =	vst v63  }
0x69: {  	_ =	swait.ge [sflag:s23], $0x280  }
0x6a: {  	[sflag:s23] =	ssyncset.done $0x0  }
0x6b: {  	[sflag:s23] =	ssyncadd.s32 $0xFFFFFD80  }
0x6c: {  	[tilespmem:s29], [sflag:$0x1] =	stream.indirect.gather [hbm4b:s1+s26], $0x80, s22, s26, $0xb8;
	[tilespmem:$0x1BD70] =	vst v63  }
0x6d: {  	_ =	swait.ge [sflag:s23], $0x2800  }
0x6e: {  	[sflag:s23] =	ssyncset.done $0x0  }
0x6f: {  	[sflag:s23] =	ssyncadd.s32 $0xFFFFD800  }
0x70: {  	[tilespmem:s30], [sflag:$0x1] =	stream.indirect.gather [hbm4b:s7+s26], $0x8, s26, s26, $0xb8;
	[tilespmem:$0x1BD70] =	vst v63  }
0x71: {  	_ =	swait.ge [sflag:s23], $0x280  }
0x72: {  	[sflag:s23] =	ssyncset.done $0x0  }
0x73: {  	[sflag:s23] =	ssyncadd.s32 $0xFFFFFD80  }
0x74: {  	[tilespmem:s31], [sflag:$0x1] =	stream.indirect.gather [hbm4b:s7+s26], $0x8, s22, s26, $0xb8;
	[tilespmem:$0x1BD70] =	vst v63  }
0x75: {  	_ =	swait.ge [sflag:s23], $0x280  }
0x76: {  	[sflag:s23] =	ssyncset.done $0x0  }
0x77: {  	[sflag:s23] =	ssyncadd.s32 $0xFFFFFD80  }
0x78: {  	v55 =	vld.idx.msk [tilespmem:v0+s30+$0x0], $0xffff  }
0x79: {  	v56 =	vld.idx.msk [tilespmem:v3+s31+$0x0], $0xffff;
	_ =	sdelay $0x1  }
0x7a: {  	v57 =	vld.idx.msk [tilespmem:v0+s28+$0x0], $0xffff;
	_ =	sdelay $0x2  }
0x7b: {  	v55 =	vadd.f32 v56, v55;
	_ =	sdelay $0x1  }
0x7c: {  	v55 =	vadd.f32 v57, v55;
	_ =	sdelay $0x1  }
0x7d: {  	v62 =	vmul.f32 $2.000000030e-01, v55;
	_ =	sdelay $0x1  }
0x7e: {  	v55 =	vmax.f32 v55, v62  }
0x7f: {  	v55 =	vsub.f32 v55, v51;
	_ =	sdelay $0x1  }
0x80: {  	v55 =	vmul.f32 $1.442695020e+00, v55;
	_ =	sdelay $0x1  }
0x81: {  	(erf) = vpow2.f32 v55;
	_ =	sdelay $0x8  }
0x82: {  	v55 =	vpop (erf)  }
0x83: {  	[tilespmem:v4+s25+$0x0] =	vst.idx.msk $0xffff, v55  }
0x84: {  	v55 =	vld.idx.msk [tilespmem:v5+s30+$0x0], $0xffff  }
0x85: {  	v63 =	vld.idx.msk [tilespmem:v6+s31+$0x0], $0xffff;
	_ =	sdelay $0x1  }
0x86: {  	v60 =	vld.idx.msk [tilespmem:v5+s28+$0x0], $0xffff;
	_ =	sdelay $0x2  }
0x87: {  	v55 =	vadd.f32 v63, v55;
	_ =	sdelay $0x1  }
0x88: {  	v55 =	vadd.f32 v60, v55;
	_ =	sdelay $0x1  }
0x89: {  	v61 =	vmul.f32 $2.000000030e-01, v55;
	_ =	sdelay $0x1  }
0x8a: {  	v55 =	vmax.f32 v55, v61  }
0x8b: {  	v55 =	vsub.f32 v55, v52;
	_ =	sdelay $0x1  }
0x8c: {  	v55 =	vmul.f32 $1.442695020e+00, v55;
	_ =	sdelay $0x1  }
0x8d: {  	(erf) = vpow2.f32 v55;
	_ =	sdelay $0x8  }
0x8e: {  	v55 =	vpop (erf)  }
0x8f: {  	[tilespmem:v7+s25+$0x0] =	vst.idx.msk $0xffff, v55  }
0x90: {  	v55 =	vld.idx.msk [tilespmem:v8+s30+$0x0], $0xffff  }
0x91: {  	v62 =	vld.idx.msk [tilespmem:v9+s31+$0x0], $0xffff;
	_ =	sdelay $0x1  }
0x92: {  	v63 =	vld.idx.msk [tilespmem:v8+s28+$0x0], $0xffff;
	_ =	sdelay $0x2  }
0x93: {  	v55 =	vadd.f32 v62, v55;
	_ =	sdelay $0x1  }
0x94: {  	v55 =	vadd.f32 v63, v55;
	_ =	sdelay $0x1  }
0x95: {  	v60 =	vmul.f32 $2.000000030e-01, v55;
	_ =	sdelay $0x1  }
0x96: {  	v55 =	vmax.f32 v55, v60  }
0x97: {  	v55 =	vsub.f32 v55, v53;
	_ =	sdelay $0x1  }
0x98: {  	v55 =	vmul.f32 $1.442695020e+00, v55;
	_ =	sdelay $0x1  }
0x99: {  	(erf) = vpow2.f32 v55;
	_ =	sdelay $0x8  }
0x9a: {  	v55 =	vpop (erf)  }
0x9b: {  	[tilespmem:v10+s25+$0x0] =	vst.idx.msk $0xffff, v55  }
0x9c: {  	v55 =	vld.idx.msk [tilespmem:v11+s30+$0x0], $0xffff  }
0x9d: {  	v61 =	vld.idx.msk [tilespmem:v12+s31+$0x0], $0xffff;
	_ =	sdelay $0x1  }
0x9e: {  	v62 =	vld.idx.msk [tilespmem:v11+s28+$0x0], $0xffff;
	_ =	sdelay $0x2  }
0x9f: {  	v55 =	vadd.f32 v61, v55;
	_ =	sdelay $0x1  }
0xa0: {  	v55 =	vadd.f32 v62, v55;
	_ =	sdelay $0x1  }
0xa1: {  	v63 =	vmul.f32 $2.000000030e-01, v55;
	_ =	sdelay $0x1  }
0xa2: {  	v55 =	vmax.f32 v55, v63  }
0xa3: {  	v55 =	vsub.f32 v55, v54;
	_ =	sdelay $0x1  }
0xa4: {  	v55 =	vmul.f32 $1.442695020e+00, v55;
	_ =	sdelay $0x1  }
0xa5: {  	(erf) = vpow2.f32 v55;
	_ =	sdelay $0x8  }
0xa6: {  	v55 =	vpop (erf)  }
0xa7: {  	[tilespmem:v13+s25+$0x0] =	vst.idx.msk $0xffff, v55  }
0xa8: {  	v55 =	vld.idx.msk [tilespmem:v14+s30+$0x0], $0xffff  }
0xa9: {  	v60 =	vld.idx.msk [tilespmem:v15+s31+$0x0], $0xffff;
	_ =	sdelay $0x1  }
0xaa: {  	v61 =	vld.idx.msk [tilespmem:v14+s28+$0x0], $0xffff;
	_ =	sdelay $0x2  }
0xab: {  	v55 =	vadd.f32 v60, v55;
	_ =	sdelay $0x1  }
0xac: {  	v55 =	vadd.f32 v61, v55;
	_ =	sdelay $0x1  }
0xad: {  	v62 =	vmul.f32 $2.000000030e-01, v55;
	_ =	sdelay $0x1  }
0xae: {  	v55 =	vmax.f32 v55, v62  }
0xaf: {  	v55 =	vsub.f32 v55, v51;
	_ =	sdelay $0x1  }
0xb0: {  	v55 =	vmul.f32 $1.442695020e+00, v55;
	_ =	sdelay $0x1  }
0xb1: {  	(erf) = vpow2.f32 v55;
	_ =	sdelay $0x8  }
0xb2: {  	v55 =	vpop (erf)  }
0xb3: {  	[tilespmem:v16+s25+$0x0] =	vst.idx.msk $0xffff, v55  }
0xb4: {  	v55 =	vld.idx.msk [tilespmem:v17+s30+$0x0], $0xffff  }
0xb5: {  	v63 =	vld.idx.msk [tilespmem:v18+s31+$0x0], $0xffff;
	_ =	sdelay $0x1  }
0xb6: {  	v60 =	vld.idx.msk [tilespmem:v17+s28+$0x0], $0xffff;
	_ =	sdelay $0x2  }
0xb7: {  	v55 =	vadd.f32 v63, v55;
	_ =	sdelay $0x1  }
0xb8: {  	v55 =	vadd.f32 v60, v55;
	_ =	sdelay $0x1  }
0xb9: {  	v61 =	vmul.f32 $2.000000030e-01, v55;
	_ =	sdelay $0x1  }
0xba: {  	v55 =	vmax.f32 v55, v61  }
0xbb: {  	v55 =	vsub.f32 v55, v52;
	_ =	sdelay $0x1  }
0xbc: {  	v55 =	vmul.f32 $1.442695020e+00, v55;
	_ =	sdelay $0x1  }
0xbd: {  	(erf) = vpow2.f32 v55;
	_ =	sdelay $0x8  }
0xbe: {  	v55 =	vpop (erf)  }
0xbf: {  	[tilespmem:v19+s25+$0x0] =	vst.idx.msk $0xffff, v55  }
0xc0: {  	v55 =	vld.idx.msk [tilespmem:v20+s30+$0x0], $0xffff  }
0xc1: {  	v62 =	vld.idx.msk [tilespmem:v21+s31+$0x0], $0xffff;
	_ =	sdelay $0x1  }
0xc2: {  	v63 =	vld.idx.msk [tilespmem:v20+s28+$0x0], $0xffff;
	_ =	sdelay $0x2  }
0xc3: {  	v55 =	vadd.f32 v62, v55;
	_ =	sdelay $0x1  }
0xc4: {  	v55 =	vadd.f32 v63, v55;
	_ =	sdelay $0x1  }
0xc5: {  	v60 =	vmul.f32 $2.000000030e-01, v55;
	_ =	sdelay $0x1  }
0xc6: {  	v55 =	vmax.f32 v55, v60  }
0xc7: {  	v55 =	vsub.f32 v55, v53;
	_ =	sdelay $0x1  }
0xc8: {  	v55 =	vmul.f32 $1.442695020e+00, v55;
	_ =	sdelay $0x1  }
0xc9: {  	(erf) = vpow2.f32 v55;
	_ =	sdelay $0x8  }
0xca: {  	v55 =	vpop (erf)  }
0xcb: {  	[tilespmem:v22+s25+$0x0] =	vst.idx.msk $0xffff, v55  }
0xcc: {  	v55 =	vld.idx.msk [tilespmem:v23+s30+$0x0], $0xffff  }
0xcd: {  	v61 =	vld.idx.msk [tilespmem:v24+s31+$0x0], $0xffff;
	_ =	sdelay $0x1  }
0xce: {  	v62 =	vld.idx.msk [tilespmem:v23+s28+$0x0], $0xffff;
	_ =	sdelay $0x2  }
0xcf: {  	v55 =	vadd.f32 v61, v55;
	_ =	sdelay $0x1  }
0xd0: {  	v55 =	vadd.f32 v62, v55;
	_ =	sdelay $0x1  }
0xd1: {  	v63 =	vmul.f32 $2.000000030e-01, v55;
	_ =	sdelay $0x1  }
0xd2: {  	v55 =	vmax.f32 v55, v63  }
0xd3: {  	v55 =	vsub.f32 v55, v54;
	_ =	sdelay $0x1  }
0xd4: {  	v55 =	vmul.f32 $1.442695020e+00, v55;
	_ =	sdelay $0x1  }
0xd5: {  	(erf) = vpow2.f32 v55;
	_ =	sdelay $0x8  }
0xd6: {  	v55 =	vpop (erf)  }
0xd7: {  	[tilespmem:v25+s25+$0x0] =	vst.idx.msk $0xffff, v55  }
0xd8: {  	v55 =	vld.idx.msk [tilespmem:v26+s30+$0x0], $0xffff  }
0xd9: {  	v60 =	vld.idx.msk [tilespmem:v27+s31+$0x0], $0xffff;
	_ =	sdelay $0x1  }
0xda: {  	v61 =	vld.idx.msk [tilespmem:v26+s28+$0x0], $0xffff;
	_ =	sdelay $0x2  }
0xdb: {  	v55 =	vadd.f32 v60, v55;
	_ =	sdelay $0x1  }
0xdc: {  	v55 =	vadd.f32 v61, v55;
	_ =	sdelay $0x1  }
0xdd: {  	v62 =	vmul.f32 $2.000000030e-01, v55;
	_ =	sdelay $0x1  }
0xde: {  	v55 =	vmax.f32 v55, v62  }
0xdf: {  	v55 =	vsub.f32 v55, v51;
	_ =	sdelay $0x1  }
0xe0: {  	v55 =	vmul.f32 $1.442695020e+00, v55;
	_ =	sdelay $0x1  }
0xe1: {  	(erf) = vpow2.f32 v55;
	_ =	sdelay $0x8  }
0xe2: {  	v55 =	vpop (erf)  }
0xe3: {  	[tilespmem:v28+s25+$0x0] =	vst.idx.msk $0xffff, v55  }
0xe4: {  	v55 =	vld.idx.msk [tilespmem:v29+s30+$0x0], $0xffff  }
0xe5: {  	v63 =	vld.idx.msk [tilespmem:v30+s31+$0x0], $0xffff;
	_ =	sdelay $0x1  }
0xe6: {  	v60 =	vld.idx.msk [tilespmem:v29+s28+$0x0], $0xffff;
	_ =	sdelay $0x2  }
0xe7: {  	v55 =	vadd.f32 v63, v55;
	_ =	sdelay $0x1  }
0xe8: {  	v55 =	vadd.f32 v60, v55;
	_ =	sdelay $0x1  }
0xe9: {  	v61 =	vmul.f32 $2.000000030e-01, v55;
	_ =	sdelay $0x1  }
0xea: {  	v55 =	vmax.f32 v55, v61  }
0xeb: {  	v55 =	vsub.f32 v55, v52;
	_ =	sdelay $0x1  }
0xec: {  	v55 =	vmul.f32 $1.442695020e+00, v55;
	_ =	sdelay $0x1  }
0xed: {  	(erf) = vpow2.f32 v55;
	_ =	sdelay $0x8  }
0xee: {  	v55 =	vpop (erf)  }
0xef: {  	[tilespmem:v31+s25+$0x0] =	vst.idx.msk $0xffff, v55  }
0xf0: {  	v55 =	vld.idx.msk [tilespmem:v32+s30+$0x0], $0xffff  }
0xf1: {  	v62 =	vld.idx.msk [tilespmem:v33+s31+$0x0], $0xffff;
	_ =	sdelay $0x1  }
0xf2: {  	v63 =	vld.idx.msk [tilespmem:v32+s28+$0x0], $0xffff;
	_ =	sdelay $0x2  }
0xf3: {  	v55 =	vadd.f32 v62, v55;
	_ =	sdelay $0x1  }
0xf4: {  	v55 =	vadd.f32 v63, v55;
	_ =	sdelay $0x1  }
0xf5: {  	v60 =	vmul.f32 $2.000000030e-01, v55;
	_ =	sdelay $0x1  }
0xf6: {  	v55 =	vmax.f32 v55, v60  }
0xf7: {  	v55 =	vsub.f32 v55, v53;
	_ =	sdelay $0x1  }
0xf8: {  	v55 =	vmul.f32 $1.442695020e+00, v55;
	_ =	sdelay $0x1  }
0xf9: {  	(erf) = vpow2.f32 v55;
	_ =	sdelay $0x8  }
0xfa: {  	v55 =	vpop (erf)  }
0xfb: {  	[tilespmem:v34+s25+$0x0] =	vst.idx.msk $0xffff, v55  }
0xfc: {  	v55 =	vld.idx.msk [tilespmem:v35+s30+$0x0], $0xffff  }
0xfd: {  	v61 =	vld.idx.msk [tilespmem:v36+s31+$0x0], $0xffff;
	_ =	sdelay $0x1  }
0xfe: {  	v62 =	vld.idx.msk [tilespmem:v35+s28+$0x0], $0xffff;
	_ =	sdelay $0x2  }
0xff: {  	v55 =	vadd.f32 v61, v55;
	_ =	sdelay $0x1  }
0x100: {  	v55 =	vadd.f32 v62, v55;
	_ =	sdelay $0x1  }
0x101: {  	v63 =	vmul.f32 $2.000000030e-01, v55;
	_ =	sdelay $0x1  }
0x102: {  	v55 =	vmax.f32 v55, v63  }
0x103: {  	v55 =	vsub.f32 v55, v54;
	_ =	sdelay $0x1  }
0x104: {  	v55 =	vmul.f32 $1.442695020e+00, v55;
	_ =	sdelay $0x1  }
0x105: {  	(erf) = vpow2.f32 v55;
	_ =	sdelay $0x8  }
0x106: {  	v55 =	vpop (erf)  }
0x107: {  	[tilespmem:v37+s25+$0x0] =	vst.idx.msk $0xffff, v55  }
0x108: {  	v55 =	vld.idx.msk [tilespmem:v38+s30+$0x0], $0xffff  }
0x109: {  	v60 =	vld.idx.msk [tilespmem:v39+s31+$0x0], $0xffff;
	_ =	sdelay $0x1  }
0x10a: {  	v61 =	vld.idx.msk [tilespmem:v38+s28+$0x0], $0xffff;
	_ =	sdelay $0x2  }
0x10b: {  	v55 =	vadd.f32 v60, v55;
	_ =	sdelay $0x1  }
0x10c: {  	v55 =	vadd.f32 v61, v55;
	_ =	sdelay $0x1  }
0x10d: {  	v62 =	vmul.f32 $2.000000030e-01, v55;
	_ =	sdelay $0x1  }
0x10e: {  	v55 =	vmax.f32 v55, v62  }
0x10f: {  	v55 =	vsub.f32 v55, v51;
	_ =	sdelay $0x1  }
0x110: {  	v55 =	vmul.f32 $1.442695020e+00, v55;
	_ =	sdelay $0x1  }
0x111: {  	(erf) = vpow2.f32 v55;
	_ =	sdelay $0x8  }
0x112: {  	v55 =	vpop (erf)  }
0x113: {  	[tilespmem:v40+s25+$0x0] =	vst.idx.msk $0xffff, v55  }
0x114: {  	v55 =	vld.idx.msk [tilespmem:v41+s30+$0x0], $0xffff  }
0x115: {  	v63 =	vld.idx.msk [tilespmem:v42+s31+$0x0], $0xffff;
	_ =	sdelay $0x1  }
0x116: {  	v60 =	vld.idx.msk [tilespmem:v41+s28+$0x0], $0xffff;
	_ =	sdelay $0x2  }
0x117: {  	v55 =	vadd.f32 v63, v55;
	_ =	sdelay $0x1  }
0x118: {  	v55 =	vadd.f32 v60, v55;
	_ =	sdelay $0x1  }
0x119: {  	v61 =	vmul.f32 $2.000000030e-01, v55;
	_ =	sdelay $0x1  }
0x11a: {  	v55 =	vmax.f32 v55, v61  }
0x11b: {  	v55 =	vsub.f32 v55, v52;
	_ =	sdelay $0x1  }
0x11c: {  	v55 =	vmul.f32 $1.442695020e+00, v55;
	_ =	sdelay $0x1  }
0x11d: {  	(erf) = vpow2.f32 v55;
	_ =	sdelay $0x8  }
0x11e: {  	v55 =	vpop (erf)  }
0x11f: {  	[tilespmem:v43+s25+$0x0] =	vst.idx.msk $0xffff, v55  }
0x120: {  	v55 =	vld.idx.msk [tilespmem:v44+s30+$0x0], $0xffff  }
0x121: {  	v62 =	vld.idx.msk [tilespmem:v45+s31+$0x0], $0xffff;
	_ =	sdelay $0x1  }
0x122: {  	v63 =	vld.idx.msk [tilespmem:v44+s28+$0x0], $0xffff;
	_ =	sdelay $0x2  }
0x123: {  	v55 =	vadd.f32 v62, v55;
	_ =	sdelay $0x1  }
0x124: {  	v55 =	vadd.f32 v63, v55;
	_ =	sdelay $0x1  }
0x125: {  	v60 =	vmul.f32 $2.000000030e-01, v55;
	_ =	sdelay $0x1  }
0x126: {  	v55 =	vmax.f32 v55, v60  }
0x127: {  	v55 =	vsub.f32 v55, v53;
	_ =	sdelay $0x1  }
0x128: {  	v55 =	vmul.f32 $1.442695020e+00, v55;
	_ =	sdelay $0x1  }
0x129: {  	(erf) = vpow2.f32 v55;
	_ =	sdelay $0x8  }
0x12a: {  	v55 =	vpop (erf)  }
0x12b: {  	[tilespmem:v46+s25+$0x0] =	vst.idx.msk $0xffff, v55  }
0x12c: {  	v55 =	vld.idx.msk [tilespmem:v47+s30+$0x0], $0xffff  }
0x12d: {  	v61 =	vld.idx.msk [tilespmem:v48+s31+$0x0], $0xffff;
	_ =	sdelay $0x1  }
0x12e: {  	v62 =	vld.idx.msk [tilespmem:v47+s28+$0x0], $0xffff;
	_ =	sdelay $0x2  }
0x12f: {  	v55 =	vadd.f32 v61, v55;
	_ =	sdelay $0x1  }
0x130: {  	v55 =	vadd.f32 v62, v55;
	_ =	sdelay $0x1  }
0x131: {  	v63 =	vmul.f32 $2.000000030e-01, v55;
	_ =	sdelay $0x1  }
0x132: {  	v55 =	vmax.f32 v55, v63  }
0x133: {  	v55 =	vsub.f32 v55, v54;
	_ =	sdelay $0x1  }
0x134: {  	v55 =	vmul.f32 $1.442695020e+00, v55;
	_ =	sdelay $0x1  }
0x135: {  	(erf) = vpow2.f32 v55;
	_ =	sdelay $0x6  }
0x136: {  	v60 =	vor.u32 $0x204, v0;
	_ =	sdelay $0x1  }
0x137: {  	v61 =	vpop (erf)  }
0x138: {  	[tilespmem:v49+s25+$0x0] =	vst.idx.msk $0xffff, v61  }
0x139: {  	v56 =	vld.idx.msk [tilespmem:v50+s30+$0x0], $0xffff  }
0x13a: {  	v55 =	vld.idx.msk [tilespmem:v60+s31+$0x0], $0xffff;
	_ =	sdelay $0x1  }
0x13b: {  	v62 =	vld.idx.msk [tilespmem:v50+s28+$0x0], $0xffff;
	_ =	sdelay $0x2  }
0x13c: {  	v55 =	vadd.f32 v55, v56;
	_ =	sdelay $0x1  }
0x13d: {  	v55 =	vadd.f32 v62, v55;
	_ =	sdelay $0x1  }
0x13e: {  	v63 =	vmul.f32 $2.000000030e-01, v55;
	_ =	sdelay $0x1  }
0x13f: {  	v55 =	vmax.f32 v55, v63  }
0x140: {  	v55 =	vsub.f32 v55, v51;
	_ =	sdelay $0x1  }
0x141: {  	v55 =	vmul.f32 $1.442695020e+00, v55;
	_ =	sdelay $0x1  }
0x142: {  	(erf) = vpow2.f32 v55;
	_ =	sdelay $0x4  }
0x143: {  	v60 =	vadd.s32 $0x2480, v1  }
0x144: {  	v61 =	vor.u32 $0x201, v0  }
0x145: {  	v62 =	vor.u32 $0x205, v0;
	_ =	sdelay $0x1  }
0x146: {  	v58 =	vpop (erf)  }
0x147: {  	[tilespmem:v60+s25+$0x0] =	vst.idx.msk $0xffff, v58  }
0x148: {  	v55 =	vld.idx.msk [tilespmem:v61+s30+$0x0], $0xffff  }
0x149: {  	v57 =	vld.idx.msk [tilespmem:v62+s31+$0x0], $0xffff;
	_ =	sdelay $0x1  }
0x14a: {  	v56 =	vld.idx.msk [tilespmem:v61+s28+$0x0], $0xffff;
	_ =	sdelay $0x2  }
0x14b: {  	v55 =	vadd.f32 v57, v55;
	_ =	sdelay $0x1  }
0x14c: {  	v55 =	vadd.f32 v56, v55;
	_ =	sdelay $0x1  }
0x14d: {  	v56 =	vmul.f32 $2.000000030e-01, v55;
	_ =	sdelay $0x1  }
0x14e: {  	v55 =	vmax.f32 v55, v56  }
0x14f: {  	v55 =	vsub.f32 v55, v52;
	_ =	sdelay $0x1  }
0x150: {  	v55 =	vmul.f32 $1.442695020e+00, v55;
	_ =	sdelay $0x1  }
0x151: {  	(erf) = vpow2.f32 v55;
	_ =	sdelay $0x4  }
0x152: {  	v63 =	vadd.s32 $0x2481, v1  }
0x153: {  	v60 =	vor.u32 $0x202, v0  }
0x154: {  	v61 =	vor.u32 $0x206, v0;
	_ =	sdelay $0x1  }
0x155: {  	v62 =	vpop (erf)  }
0x156: {  	[tilespmem:v63+s25+$0x0] =	vst.idx.msk $0xffff, v62  }
0x157: {  	v55 =	vld.idx.msk [tilespmem:v60+s30+$0x0], $0xffff  }
0x158: {  	v57 =	vld.idx.msk [tilespmem:v61+s31+$0x0], $0xffff;
	_ =	sdelay $0x1  }
0x159: {  	v56 =	vld.idx.msk [tilespmem:v60+s28+$0x0], $0xffff;
	_ =	sdelay $0x2  }
0x15a: {  	v55 =	vadd.f32 v57, v55;
	_ =	sdelay $0x1  }
0x15b: {  	v55 =	vadd.f32 v56, v55;
	_ =	sdelay $0x1  }
0x15c: {  	v56 =	vmul.f32 $2.000000030e-01, v55;
	_ =	sdelay $0x1  }
0x15d: {  	v55 =	vmax.f32 v55, v56  }
0x15e: {  	v55 =	vsub.f32 v55, v53;
	_ =	sdelay $0x1  }
0x15f: {  	v55 =	vmul.f32 $1.442695020e+00, v55;
	_ =	sdelay $0x1  }
0x160: {  	(erf) = vpow2.f32 v55;
	_ =	sdelay $0x4  }
0x161: {  	v63 =	vadd.s32 $0x2482, v1  }
0x162: {  	v60 =	vor.u32 $0x203, v0  }
0x163: {  	v61 =	vor.u32 $0x207, v0;
	_ =	sdelay $0x1  }
0x164: {  	v62 =	vpop (erf)  }
0x165: {  	[tilespmem:v63+s25+$0x0] =	vst.idx.msk $0xffff, v62  }
0x166: {  	v55 =	vld.idx.msk [tilespmem:v60+s30+$0x0], $0xffff  }
0x167: {  	v57 =	vld.idx.msk [tilespmem:v61+s31+$0x0], $0xffff;
	_ =	sdelay $0x1  }
0x168: {  	v56 =	vld.idx.msk [tilespmem:v60+s28+$0x0], $0xffff;
	_ =	sdelay $0x2  }
0x169: {  	v55 =	vadd.f32 v57, v55;
	_ =	sdelay $0x1  }
0x16a: {  	v55 =	vadd.f32 v56, v55;
	_ =	sdelay $0x1  }
0x16b: {  	v56 =	vmul.f32 $2.000000030e-01, v55;
	_ =	sdelay $0x1  }
0x16c: {  	v55 =	vmax.f32 v55, v56  }
0x16d: {  	v55 =	vsub.f32 v55, v54;
	_ =	sdelay $0x1  }
0x16e: {  	v55 =	vmul.f32 $1.442695020e+00, v55;
	_ =	sdelay $0x1  }
0x16f: {  	(erf) = vpow2.f32 v55;
	_ =	sdelay $0x4  }
0x170: {  	v63 =	vadd.s32 $0x2483, v1;
	_ =	sdelay $0x3  }
0x171: {  	v60 =	vpop (erf)  }
0x172: {  	s24 =	simm.s32 $0x3060;
	[tilespmem:v63+s25+$0x0] =	vst.idx.msk $0xffff, v60  }
0x173: {  	v55 =	vld [tilespmem:s24+$0x40]  }
0x174: {  	s13 =	simm.s32 $0x0  }
0x175: {  	v56 =	vld [tilespmem:s13+$0x820];
	_ =	sdelay $0x2  }
0x176: {  	v61 =	vbroadcast v55, $0x0;
	_ =	sdelay $0x1  }
0x177: {  	v56 =	vmul.f32 v61, v56;
	_ =	sdelay $0x1  }
0x178: {  	[tilespmem:s24+$0xFFFFFFC0] =	vst v56  }
0x179: {  	v56 =	vld [tilespmem:s13+$0x830];
	_ =	sdelay $0x4  }
0x17a: {  	v56 =	vmul.f32 v56, v61;
	_ =	sdelay $0x1  }
0x17b: {  	[tilespmem:s24+$0xFFFFFFD0] =	vst v56  }
0x17c: {  	v56 =	vld [tilespmem:s13+$0x840];
	_ =	sdelay $0x2  }
0x17d: {  	v62 =	vbroadcast v55, $0x1;
	_ =	sdelay $0x1  }
0x17e: {  	v56 =	vmul.f32 v56, v62;
	_ =	sdelay $0x1  }
0x17f: {  	[tilespmem:s24+$0xFFFFFFE0] =	vst v56  }
0x180: {  	v56 =	vld [tilespmem:s13+$0x850];
	_ =	sdelay $0x4  }
0x181: {  	v56 =	vmul.f32 v56, v62;
	_ =	sdelay $0x1  }
0x182: {  	[tilespmem:s24+$0xFFFFFFF0] =	vst v56  }
0x183: {  	v56 =	vld [tilespmem:s13+$0x860];
	_ =	sdelay $0x2  }
0x184: {  	v63 =	vbroadcast v55, $0x2;
	_ =	sdelay $0x1  }
0x185: {  	v56 =	vmul.f32 v56, v63;
	_ =	sdelay $0x1  }
0x186: {  	[tilespmem:s24+$0x0] =	vst v56  }
0x187: {  	v56 =	vld [tilespmem:s13+$0x870];
	_ =	sdelay $0x4  }
0x188: {  	v56 =	vmul.f32 v56, v63;
	_ =	sdelay $0x1  }
0x189: {  	[tilespmem:s24+$0x10] =	vst v56  }
0x18a: {  	v56 =	vld [tilespmem:s13+$0x880];
	_ =	sdelay $0x2  }
0x18b: {  	v55 =	vbroadcast v55, $0x3;
	_ =	sdelay $0x1  }
0x18c: {  	v56 =	vmul.f32 v56, v55;
	_ =	sdelay $0x1  }
0x18d: {  	[tilespmem:s24+$0x20] =	vst v56  }
0x18e: {  	v56 =	vld [tilespmem:s13+$0x890];
	_ =	sdelay $0x4  }
0x18f: {  	s4 =	simm.s32 $0x30F0;
	v56 =	vmul.f32 v56, v55  }
0x190: {  	s10 =	simm.s32 $0x200;
	s9 =	simm.s32 $0x400;
	v55 =	vld [tilespmem:s4+$0x40]  }
.LBB2_5:
0x191: {  	p0 =	sne.s32 s9, $0x9E00;
	s13 =	sshra.s32 s10, $0x2;
	[tilespmem:s24+$0x30] =	vst v56;
	s24 =	smov.u32 s4  }
0x192: {  	s10 =	smov.u32 s9;
	v56 =	vld [tilespmem:s13+$0x820];
	_ =	sdelay $0x2  }
0x193: {  	v57 =	vbroadcast v55, $0x0;
	_ =	sdelay $0x1  }
0x194: {  	v56 =	vmul.f32 v57, v56;
	_ =	sdelay $0x1  }
0x195: {  	[tilespmem:s4+$0xFFFFFFC0] =	vst v56  }
0x196: {  	v56 =	vld [tilespmem:s13+$0x830];
	_ =	sdelay $0x4  }
0x197: {  	v56 =	vmul.f32 v56, v57;
	_ =	sdelay $0x1  }
0x198: {  	[tilespmem:s4+$0xFFFFFFD0] =	vst v56  }
0x199: {  	v56 =	vld [tilespmem:s13+$0x840];
	_ =	sdelay $0x2  }
0x19a: {  	v57 =	vbroadcast v55, $0x1;
	_ =	sdelay $0x1  }
0x19b: {  	v56 =	vmul.f32 v56, v57;
	_ =	sdelay $0x1  }
0x19c: {  	[tilespmem:s4+$0xFFFFFFE0] =	vst v56  }
0x19d: {  	v56 =	vld [tilespmem:s13+$0x850];
	_ =	sdelay $0x4  }
0x19e: {  	v56 =	vmul.f32 v56, v57;
	_ =	sdelay $0x1  }
0x19f: {  	[tilespmem:s4+$0xFFFFFFF0] =	vst v56  }
0x1a0: {  	v56 =	vld [tilespmem:s13+$0x860];
	_ =	sdelay $0x2  }
0x1a1: {  	v57 =	vbroadcast v55, $0x2;
	_ =	sdelay $0x1  }
0x1a2: {  	v56 =	vmul.f32 v56, v57;
	_ =	sdelay $0x1  }
0x1a3: {  	[tilespmem:s4+$0x0] =	vst v56  }
0x1a4: {  	v56 =	vld [tilespmem:s13+$0x870];
	_ =	sdelay $0x4  }
0x1a5: {  	v56 =	vmul.f32 v56, v57;
	_ =	sdelay $0x1  }
0x1a6: {  	[tilespmem:s4+$0x10] =	vst v56  }
0x1a7: {  	v56 =	vld [tilespmem:s13+$0x880];
	_ =	sdelay $0x2  }
0x1a8: {  	v55 =	vbroadcast v55, $0x3;
	_ =	sdelay $0x1  }
0x1a9: {  	v56 =	vmul.f32 v56, v55;
	_ =	sdelay $0x1  }
0x1aa: {  	[tilespmem:s4+$0x20] =	vst v56  }
0x1ab: {  	v56 =	vld [tilespmem:s13+$0x890];
	_ =	sdelay $0x1  }
.Ltmp1:
0x1ac: {  	(pc) =	sbr.rel @p0 .LBB2_5-.Ltmp1, $3  }
0x1ad: {  	_ =	sdelay $0x1  }
0x1ae: {  	s4 =	sadd.s32 $0x90, s4;
	v56 =	vmul.f32 v56, v55  }
0x1af: {  	s9 =	sadd.s32 $0x200, s9;
	v55 =	vld [tilespmem:s4+$0x40]  }
0x1b0: {  	s9 =	sshra.s32 s10, $0x2;
	[tilespmem:s24+$0x30] =	vst v56  }
0x1b1: {  	v56 =	vld [tilespmem:s9+$0x820];
	_ =	sdelay $0x2  }
0x1b2: {  	v57 =	vbroadcast v55, $0x0;
	_ =	sdelay $0x1  }
0x1b3: {  	v56 =	vmul.f32 v57, v56;
	_ =	sdelay $0x1  }
0x1b4: {  	[tilespmem:s4+$0xFFFFFFC0] =	vst v56  }
0x1b5: {  	v56 =	vld [tilespmem:s9+$0x830];
	_ =	sdelay $0x4  }
0x1b6: {  	v56 =	vmul.f32 v56, v57;
	_ =	sdelay $0x1  }
0x1b7: {  	[tilespmem:s4+$0xFFFFFFD0] =	vst v56  }
0x1b8: {  	v56 =	vld [tilespmem:s9+$0x840];
	_ =	sdelay $0x2  }
0x1b9: {  	v61 =	vbroadcast v55, $0x1;
	_ =	sdelay $0x1  }
0x1ba: {  	v56 =	vmul.f32 v56, v61;
	_ =	sdelay $0x1  }
0x1bb: {  	[tilespmem:s4+$0xFFFFFFE0] =	vst v56  }
0x1bc: {  	v56 =	vld [tilespmem:s9+$0x850];
	_ =	sdelay $0x4  }
0x1bd: {  	v56 =	vmul.f32 v56, v61;
	_ =	sdelay $0x1  }
0x1be: {  	[tilespmem:s4+$0xFFFFFFF0] =	vst v56  }
0x1bf: {  	v56 =	vld [tilespmem:s9+$0x860];
	_ =	sdelay $0x2  }
0x1c0: {  	v62 =	vbroadcast v55, $0x2;
	_ =	sdelay $0x1  }
0x1c1: {  	v56 =	vmul.f32 v56, v62;
	_ =	sdelay $0x1  }
0x1c2: {  	[tilespmem:s4+$0x0] =	vst v56  }
0x1c3: {  	v56 =	vld [tilespmem:s9+$0x870];
	_ =	sdelay $0x4  }
0x1c4: {  	v56 =	vmul.f32 v56, v62;
	_ =	sdelay $0x1  }
0x1c5: {  	[tilespmem:s4+$0x10] =	vst v56  }
0x1c6: {  	v56 =	vld [tilespmem:s9+$0x880];
	_ =	sdelay $0x2  }
0x1c7: {  	v63 =	vbroadcast v55, $0x3;
	_ =	sdelay $0x1  }
0x1c8: {  	v56 =	vmul.f32 v56, v63;
	_ =	sdelay $0x1  }
0x1c9: {  	[tilespmem:s4+$0x20] =	vst v56  }
0x1ca: {  	v56 =	vld [tilespmem:s9+$0x890];
	_ =	sdelay $0x4  }
0x1cb: {  	s3 =	sadd.s32 $0x1, s3;
	v55 =	vmul.f32 v56, v63  }
0x1cc: {  	p0 =	sne.s32 s3, $0x7D  }
.Ltmp2:
0x1cd: {  	[tilespmem:s4+$0x30] =	vst v55;
	(pc) =	sbr.rel @p0 .LBB2_4-.Ltmp2, $4  }
0x1ce: {  	[spmem:s2] =	stream.indirect.scatter.add.f32 [tilespmem:s25], [sflag:$0x1], $0x90, s26, s26, $0xb8;
	[tilespmem:$0x1BD70] =	vst v63  }
0x1cf: {  	_ =	swait.ge [sflag:s23], $0x2D00  }
0x1d0: {  	[sflag:s23] =	ssyncset.done $0x0  }
0x1d1: {  	[sflag:s23] =	ssyncadd.s32 $0xFFFFD300  }
0x1d2: {  	s3 =	stileid.u32;
	s0 =	sadd.s32 $0x1, s0  }
0x1d3: {  	[bflag:$0x0] =	sbarrier.arrive $0xFFFF;
	s3 =	sshll.u32 s3, $0x6;
	p0 =	sne.s32 s0, s21  }
.Ltmp3:
0x1d4: {  	s4 =	sshrl.u32 s12, $0x3;
	s3 =	sor.u32 $0x1C01, s3;
	(pc) =	sbr.rel @p0 .LBB2_1-.Ltmp3, $4  }
0x1d5: {  	[hbm:s20], [sflag:s3] =	dma.local [spmem:s4], $0x2BF2  }
0x1d6: {  	_ =	swait.ge [sflag:s23], $0x2BF2  }
0x1d7: {  	[sflag:s23] =	ssyncset.done $0x0  }
0x1d8: {  	[sflag:s23] =	ssyncadd.s32 $0xFFFFD40E  }
0x1d9: {  	_ =	sfence.sel $0x180000  }
0x1da: {  	[bflag:$0x0] =	sbarrier.arrive $0xFFFF  }
0x1db: {  	_ =	strace $0x90000047  }
0x1dc: {  	s0 =	stileid.u32;
	[bflag:$0x2] =	sbarrier.arrive $0xFFFF  }
0x1dd: {  	p0 =	sne.s32 s0, $0x0;
	s0 =	rddreg [dreg:$0x3]  }
0x1de: {  	s0 =	sadd.s32 @!p0 $0x100000, s0  }
0x1df: {  	[sflag:s0] =	ssyncadd.tile.s32 @!p0 $0x1;
	_ =	shalt  }
.Lfunc_end2:
_tile_overlayer_lowered:
.L_overlay_start_2:
0x1e0: {  	(tag) =	ssettag $0x2  }
0x1e1: {  	s0 =	rddreg [dreg:$0x0];
	s2 =	stileid.u32  }
0x1e2: {  	s1 =	rddreg [dreg:$0x1];
	p0 =	sne.s32 s2, $0x0  }
0x1e3: {  	s3 =	rddreg [dreg:$0x2];
	[bflag:$0x3] =	sbarrier.arrive $0xFFFF;
	s2 =	simm.s32 @!p0 $0x1C01  }
0x1e4: {  	[timem:s3], [sflag:s2] =	dma.local @!p0 [hbm:s0], s1  }
0x1e5: {  	s0 =	simm.s32 @!p0 $0x1  }
0x1e6: {  	_ =	swait.ge @!p0 [sflag:s0], s1  }
0x1e7: {  	s1 =	ssub.s32 @!p0 $0x0, s1;
	[sflag:s0] =	ssyncset.done @!p0 $0x0  }
0x1e8: {  	[sflag:s0] =	ssyncadd.s32 @!p0 s1  }
0x1e9: {  	[bflag:$0x3] =	sbarrier.arrive $0xFFFF  }
0x1ea: {  	_ =	shalt  }

</sc_bundles>
